<compile_context>
chip_gen: v7x
topology: tpu7x:2x2x1
jax: 0.10.2.dev20260603
libtpu: 0.0.44.dev20260713+nightly
codegen_flags: <defaults>
</compile_context>

<pallas_src>
import functools

import jax
import jax.numpy as jnp
from jax import lax
from jax.experimental import pallas as pl
from jax.experimental.pallas import tpu as pltpu
from jax.experimental.pallas import tpu_sc as plsc

N = 10000
NP = 10240
D = 128
E = 320000
NC = 2
NS = 16
NW = NC * NS
EPT = E // NW
CH = 80
NCHUNK = EPT // CH
EPP = 10240
CHE = 128
NCH = EPP // CHE
RPT = NP // NS

RB = 2000
NB = N // RB


NPR = NP // D


def _mesh():
    return plsc.VectorSubcoreMesh(core_axis_name="c", subcore_axis_name="s")


def _deg_call(dst, zrd):

    @functools.partial(
        pl.kernel,
        out_type=jax.ShapeDtypeStruct((NC * NPR, D), jnp.float32),
        mesh=_mesh(),
        compiler_params=pltpu.CompilerParams(needs_layout_passes=False),
        scratch_types=[
            pltpu.VMEM((NCH, CHE), jnp.int32),
            pltpu.VMEM((NPR, D), jnp.float32),
            pltpu.VMEM((NPR,), jnp.int32),
            pltpu.VMEM_SHARED((NPR, D), jnp.float32),
        ],
    )
    def deg_kernel(dst_hbm, z_hbm, out_hbm, didx, hist, rix, shacc):
        c = lax.axis_index("c")
        s = lax.axis_index("s")
        t = c * NS + s
        iota = lax.iota(jnp.int32, 16)
        zero16 = jnp.zeros((16,), jnp.float32)

        @pl.when(s < 10)
        def _():
            pltpu.sync_copy(z_hbm.at[pl.ds(s * 8, 8)], shacc.at[pl.ds(s * 8, 8)])

        pltpu.sync_copy(dst_hbm.at[t], didx)

        for k in range(NPR // 16):
            rix[pl.ds(k * 16, 16)] = iota + k * 16

        def zbody(j, carry):
            for k in range(8):
                hist[j, pl.ds(k * 16, 16)] = zero16
            return carry

        lax.fori_loop(0, NPR, zbody, 0)

        def body(j, carry):
            for k in range(CHE // 16):
                v = didx[j, pl.ds(k * 16, 16)]
                cnt, last = plsc.scan_count(v)
                vhi = lax.shift_right_logical(v, 7)
                vlo = lax.bitwise_and(v, 127)
                plsc.addupdate_scatter(hist, [vhi, vlo],
                                       cnt.astype(jnp.float32), mask=last)
            return carry

        lax.fori_loop(0, NCH, body, 0)
        plsc.subcore_barrier()
        pltpu.sync_copy(hist, shacc.at[rix], add=True)
        plsc.subcore_barrier()

        @pl.when(s < 10)
        def _():
            pltpu.sync_copy(shacc.at[pl.ds(s * 8, 8)],
                            out_hbm.at[pl.ds(c * NPR + s * 8, 8)])

    return deg_kernel(dst, zrd)


def _edge_call(g, src, dst, znd):

    @functools.partial(
        pl.kernel,
        out_type=jax.ShapeDtypeStruct((NC * NP, D), jnp.float32),
        mesh=_mesh(),
        compiler_params=pltpu.CompilerParams(needs_layout_passes=False),
        scratch_types=[
            [pltpu.VMEM((CH,), jnp.int32)] * 4,
            [pltpu.VMEM((CH,), jnp.int32)] * 4,
            [pltpu.VMEM((CH, D), jnp.float32)] * 4,
            [pltpu.SemaphoreType.DMA] * 4,
            [pltpu.SemaphoreType.DMA] * 4,
            [pltpu.SemaphoreType.DMA] * 4,
            pltpu.VMEM_SHARED((NP, D), jnp.float32),
        ],
    )
    def edge_kernel(g_hbm, src_hbm, dst_hbm, z_hbm, out_hbm,
                    sidx, didx, rows, gsems, isems, ssems, acc):
        c = lax.axis_index("c")
        s = lax.axis_index("s")
        t = c * NS + s
        pltpu.sync_copy(z_hbm.at[pl.ds(s * RPT, RPT)], acc.at[pl.ds(s * RPT, RPT)])
        plsc.subcore_barrier()
        base = t * EPT

        def idx_descs(j, bi):
            off = pl.multiple_of(base + j * CH, 8)
            return (
                pltpu.make_async_copy(src_hbm.at[pl.ds(off, CH)], sidx[bi],
                                      isems[bi]),
                pltpu.make_async_copy(dst_hbm.at[pl.ds(off, CH)], didx[bi],
                                      isems[bi]),
            )

        def scat_start(b):
            pltpu.async_copy(rows[b], acc.at[didx[b]], ssems[b], add=True)

        def scat_wait(b):
            pltpu.make_async_copy(rows[b], acc.at[didx[b]], ssems[b]).wait()

        for j in (0, 1):
            for d in idx_descs(j, j):
                d.start()
                d.wait()
            pltpu.async_copy(g_hbm.at[sidx[j]], rows[j], gsems[j])

        def step(j, b, ni):
            pltpu.make_async_copy(g_hbm.at[sidx[b]], rows[b],
                                  gsems[b]).wait()

            @pl.when(j + 2 < NCHUNK)
            def _():
                @pl.when(j - 2 >= 0)
                def _():
                    scat_wait(ni)
                for d in idx_descs(j + 2, ni):
                    d.start()

            scat_start(b)

            @pl.when(j + 2 < NCHUNK)
            def _():
                for d in idx_descs(j + 2, ni):
                    d.wait()
                pltpu.async_copy(g_hbm.at[sidx[ni]], rows[ni], gsems[ni])

        def body(jj, carry):
            for b in range(4):
                j = jj * 4 + b
                step(j, b, (b + 2) % 4)
            return carry

        lax.fori_loop(0, (NCHUNK - 1) // 4, body, 0)
        step(NCHUNK - 1, (NCHUNK - 1) % 4, 2)
        scat_wait(1)
        scat_wait(2)
        scat_wait(3)
        scat_wait(0)
        plsc.subcore_barrier()
        pltpu.sync_copy(acc.at[pl.ds(s * RPT, RPT)],
                        out_hbm.at[pl.ds(c * NP + s * RPT, RPT)])

    return edge_kernel(g, src, dst, znd)


def _mm(a, b):
    return lax.dot_general(a, b, (((1,), (0,)), ((), ())),
                           precision=lax.Precision.HIGHEST,
                           preferred_element_type=jnp.float32)


def _tc_prep(x, W1, dinv_col):
    def body(x_ref, w_ref, dv_ref, h_ref, g_ref):
        dinv = dv_ref[...]
        h = _mm(x_ref[...], w_ref[...])
        h_ref[...] = h
        g_ref[...] = h * dinv

    return pl.pallas_call(
        body,
        grid=(NB,),
        in_specs=[
            pl.BlockSpec((RB, D), lambda i: (i, 0)),
            pl.BlockSpec((D, D), lambda i: (0, 0)),
            pl.BlockSpec((RB, 1), lambda i: (i, 0)),
        ],
        out_specs=[pl.BlockSpec((RB, D), lambda i: (i, 0))] * 2,
        out_shape=[jax.ShapeDtypeStruct((N, D), jnp.float32)] * 2,
    )(x, W1, dinv_col)


def _tc_mid(accp, h1, dinv_col, b1r, W2):
    def body(aa_ref, ab_ref, h1_ref, dv_ref, b_ref, w_ref, h2_ref, g2_ref):
        dinv = dv_ref[...]
        agg = aa_ref[0] + ab_ref[0]
        o1 = jnp.maximum(
            dinv * agg + dinv * dinv * h1_ref[...] + b_ref[...], 0.0)
        h2 = _mm(o1, w_ref[...])
        h2_ref[...] = h2
        g2_ref[...] = h2 * dinv

    return pl.pallas_call(
        body,
        grid=(NB,),
        in_specs=[
            pl.BlockSpec((1, RB, D), lambda i: (0, i, 0)),
            pl.BlockSpec((1, RB, D), lambda i: (1, i, 0)),
            pl.BlockSpec((RB, D), lambda i: (i, 0)),
            pl.BlockSpec((RB, 1), lambda i: (i, 0)),
            pl.BlockSpec((1, D), lambda i: (0, 0)),
            pl.BlockSpec((D, D), lambda i: (0, 0)),
        ],
        out_specs=[pl.BlockSpec((RB, D), lambda i: (i, 0))] * 2,
        out_shape=[jax.ShapeDtypeStruct((N, D), jnp.float32)] * 2,
    )(accp, accp, h1, dinv_col, b1r, W2)


def _tc_final(accp, h2, dinv_col, b2r):
    def body(aa_ref, ab_ref, h2_ref, dv_ref, b_ref, out_ref):
        dinv = dv_ref[...]
        agg = aa_ref[0] + ab_ref[0]
        out_ref[...] = dinv * agg + dinv * dinv * h2_ref[...] + b_ref[...]

    return pl.pallas_call(
        body,
        grid=(NB,),
        in_specs=[
            pl.BlockSpec((1, RB, D), lambda i: (0, i, 0)),
            pl.BlockSpec((1, RB, D), lambda i: (1, i, 0)),
            pl.BlockSpec((RB, D), lambda i: (i, 0)),
            pl.BlockSpec((RB, 1), lambda i: (i, 0)),
            pl.BlockSpec((1, D), lambda i: (0, 0)),
        ],
        out_specs=pl.BlockSpec((RB, D), lambda i: (i, 0)),
        out_shape=jax.ShapeDtypeStruct((N, D), jnp.float32),
    )(accp, accp, h2, dinv_col, b2r)


def kernel(x, edge_index, W1, b1, W2, b2):
    ei = edge_index.astype(jnp.int32)
    d3 = jnp.concatenate(
        [ei[1].reshape(NW, EPT),
         jnp.full((NW, EPP - EPT), NP - 1, jnp.int32)],
        axis=1).reshape(NW, NCH, CHE)
    src = ei[0]
    dst = ei[1]
    znd = jnp.zeros((NP, D), jnp.float32)

    degp = _deg_call(d3, znd[:NPR]).reshape(NC, NP)
    dinv_col = lax.rsqrt(degp[0, :N] + degp[1, :N] + 1.0).reshape(N, 1)

    h1, g1 = _tc_prep(x, W1, dinv_col)
    acc1 = _edge_call(g1, src, dst, znd).reshape(NC, NP, D)
    h2, g2 = _tc_mid(acc1, h1, dinv_col, b1.reshape(1, D), W2)
    acc2 = _edge_call(g2, src, dst, znd).reshape(NC, NP, D)
    return _tc_final(acc2, h2, dinv_col, b2.reshape(1, D))

# --- scband reference (transcript-rebuilt; emitter-appended) ---
"""Pipeline reference for scband-classical-gcn-65481071395456 (READ-ONLY COPY).

The authoritative reference and input builder live on the scoring server;
editing this copy changes nothing except your own understanding.
"""

import jax, jax.numpy as jnp
import numpy as np

N_NODES = 10000
D_IN = 128
D_HID = 128
D_OUT = 128
N_EDGES = 320000


def _gcn_conv(x, src, dst, W, b):
    n = x.shape[0]
    h = x @ W
    loop = jnp.arange(n, dtype=src.dtype)
    s = jnp.concatenate([src, loop])
    d = jnp.concatenate([dst, loop])
    deg = jax.ops.segment_sum(jnp.ones(s.shape[0], dtype=h.dtype), d, num_segments=n)
    dinv = jnp.where(deg > 0, deg ** -0.5, 0.0)
    norm = dinv[s] * dinv[d]
    msg = h[s] * norm[:, None]
    out = jax.ops.segment_sum(msg, d, num_segments=n)
    return out + b


def setup_inputs(seed: int = 0) -> dict:
    key = jax.random.key(seed)
    ks = jax.random.split(key, 6)
    x = jax.random.normal(ks[0], (N_NODES, D_IN), dtype=jnp.float32)
    edge_index = jax.random.randint(ks[1], (2, N_EDGES), 0, N_NODES, dtype=jnp.int64 if jax.config.jax_enable_x64 else jnp.int32)
    W1 = jax.random.normal(ks[2], (D_IN, D_HID), dtype=jnp.float32) * (1.0 / np.sqrt(D_IN))
    b1 = jnp.zeros((D_HID,), dtype=jnp.float32)
    W2 = jax.random.normal(ks[3], (D_HID, D_OUT), dtype=jnp.float32) * (1.0 / np.sqrt(D_HID))
    b2 = jnp.zeros((D_OUT,), dtype=jnp.float32)
    return {"x": x, "edge_index": edge_index, "W1": W1, "b1": b1, "W2": W2, "b2": b2}


def reference(x, edge_index, W1, b1, W2, b2):
    src = edge_index[0]
    dst = edge_index[1]
    h = jax.nn.relu(_gcn_conv(x, src, dst, W1, b1))
    out = _gcn_conv(h, src, dst, W2, b2)
    return out

if __name__ == "__main__":
    import jax
    _d = setup_inputs()
    print(jax.jit(kernel)(*tuple(_d.values())))

</pallas_src>

<mosaic_0001>
#map = affine_map<(d0, d1) -> (0, 0, 0)>
#map1 = affine_map<(d0, d1) -> (0, 0)>
module attributes {stable_mosaic.version = 14 : i64} {
  func.func @deg_kernel(%arg0: i32, %arg1: i32, %arg2: memref<32x80x128xi32, #tpu.memory_space<hbm>>, %arg3: memref<80x128xf32, #tpu.memory_space<hbm>>, %arg4: memref<160x128xf32, #tpu.memory_space<hbm>>, %arg5: memref<80x128xi32, #tpu.memory_space<vmem>>, %arg6: memref<80x128xf32, #tpu.memory_space<vmem>>, %arg7: memref<80xi32, #tpu.memory_space<vmem>>, %arg8: memref<80x128xf32, #tpu.memory_space<vmem_shared>>) attributes {dimension_semantics = [#tpu.dimension_semantics<core_parallel>, #tpu.dimension_semantics<subcore_parallel>], iteration_bounds = array<i64: 2, 16>, scalar_prefetch = 0 : i64, scratch_operands = 4 : i64, tpu.core_type = #tpu.core_type<sc_vector_subcore>, window_params = [{transform_indices = #map}, {transform_indices = #map1}, {transform_indices = #map1}]} {
    %mul3A = arith.constant 16 : i32
    %mul3A_0 = arith.muli %arg0, %mul3A : i32
    %add3A = arith.addi %mul3A_0, %arg1 : i32
    %iota3A = tpu.iota {dimensions = array<i32: 0>} : vector<16xi32>
    %broadcast_in_dim3A = arith.constant 0.000000e+00 : f32
    %broadcast_in_dim3A_1 = vector.broadcast %broadcast_in_dim3A : f32 to vector<16xf32>
    %lt3A = arith.constant 10 : i32
    %lt3A_2 = arith.cmpi slt, %arg1, %lt3A : i32
    %convert_element_type3A = arith.extui %lt3A_2 : i1 to i32
    %cond3A = arith.constant 0 : i32
    %cond3A_3 = arith.cmpi ne, %convert_element_type3A, %cond3A : i32
    scf.if %cond3A_3 {
      %mul3A_45 = arith.constant 8 : i32
      %mul3A_46 = arith.muli %arg1, %mul3A_45 : i32
      %mul3A_47 = arith.constant 8 : i32
      %mul3A_48 = arith.muli %arg1, %mul3A_47 : i32
      "tpu.region"() ({
        %run_scoped3A = tpu.sem_alloc : memref<!tpu.dma_semaphore, #tpu.memory_space<semaphore_mem>>
        %dma_start3A = arith.constant 0 : i32
        %dma_start3A_49 = tpu.memref_slice %arg8[%mul3A_48, %dma_start3A] : memref<80x128xf32, #tpu.memory_space<vmem_shared>> -> memref<8x128xf32, #tpu.memory_space<vmem_shared>>
        %dma_start3A_50 = arith.constant 0 : i32
        %dma_start3A_51 = tpu.memref_slice %arg3[%mul3A_46, %dma_start3A_50] : memref<80x128xf32, #tpu.memory_space<hbm>> -> memref<8x128xf32, #tpu.memory_space<hbm>>
        tpu.enqueue_dma source(%dma_start3A_51 : memref<8x128xf32, #tpu.memory_space<hbm>>) target(%dma_start3A_49 : memref<8x128xf32, #tpu.memory_space<vmem_shared>>) target_semaphore(%run_scoped3A : memref<!tpu.dma_semaphore, #tpu.memory_space<semaphore_mem>>)
        %dma_wait3A = arith.constant 0 : i32
        %dma_wait3A_52 = tpu.memref_slice %arg8[%mul3A_48, %dma_wait3A] : memref<80x128xf32, #tpu.memory_space<vmem_shared>> -> memref<8x128xf32, #tpu.memory_space<vmem_shared>>
        %dma_wait3A_53 = arith.constant 0 : i32
        %dma_wait3A_54 = tpu.memref_slice %arg3[%mul3A_46, %dma_wait3A_53] : memref<80x128xf32, #tpu.memory_space<hbm>> -> memref<8x128xf32, #tpu.memory_space<hbm>>
        tpu.wait_dma2 semaphore(%run_scoped3A : memref<!tpu.dma_semaphore, #tpu.memory_space<semaphore_mem>>) src(%dma_wait3A_54 : memref<8x128xf32, #tpu.memory_space<hbm>>) dst(%dma_wait3A_52 : memref<8x128xf32, #tpu.memory_space<vmem_shared>>)
        tpu.yield
      }) : () -> ()
    } else {
    }
    "tpu.region"() ({
      %run_scoped3A = tpu.sem_alloc : memref<!tpu.dma_semaphore, #tpu.memory_space<semaphore_mem>>
      %dma_start3A = arith.constant 0 : i32
      %dma_start3A_45 = arith.constant 0 : i32
      %dma_start3A_46 = tpu.memref_slice %arg2[%add3A, %dma_start3A, %dma_start3A_45] : memref<32x80x128xi32, #tpu.memory_space<hbm>> -> memref<1x80x128xi32, #tpu.memory_space<hbm>>
      %dma_start3A_47 = tpu.memref_squeeze %dma_start3A_46 : memref<1x80x128xi32, #tpu.memory_space<hbm>> -> memref<80x128xi32, #tpu.memory_space<hbm>>
      %dma_start3A_48 = arith.constant 0 : i32
      %dma_start3A_49 = arith.constant 0 : i32
      %dma_start3A_50 = tpu.memref_slice %arg2[%add3A, %dma_start3A_48, %dma_start3A_49] : memref<32x80x128xi32, #tpu.memory_space<hbm>> -> memref<1x80x128xi32, #tpu.memory_space<hbm>>
      %dma_start3A_51 = tpu.memref_squeeze %dma_start3A_50 : memref<1x80x128xi32, #tpu.memory_space<hbm>> -> memref<80x128xi32, #tpu.memory_space<hbm>>
      tpu.enqueue_dma source(%dma_start3A_51 : memref<80x128xi32, #tpu.memory_space<hbm>>) target(%arg5 : memref<80x128xi32, #tpu.memory_space<vmem>>) target_semaphore(%run_scoped3A : memref<!tpu.dma_semaphore, #tpu.memory_space<semaphore_mem>>)
      %dma_wait3A = arith.constant 0 : i32
      %dma_wait3A_52 = arith.constant 0 : i32
      %dma_wait3A_53 = tpu.memref_slice %arg2[%add3A, %dma_wait3A, %dma_wait3A_52] : memref<32x80x128xi32, #tpu.memory_space<hbm>> -> memref<1x80x128xi32, #tpu.memory_space<hbm>>
      %dma_wait3A_54 = tpu.memref_squeeze %dma_wait3A_53 : memref<1x80x128xi32, #tpu.memory_space<hbm>> -> memref<80x128xi32, #tpu.memory_space<hbm>>
      %dma_wait3A_55 = arith.constant 0 : i32
      %dma_wait3A_56 = arith.constant 0 : i32
      %dma_wait3A_57 = tpu.memref_slice %arg2[%add3A, %dma_wait3A_55, %dma_wait3A_56] : memref<32x80x128xi32, #tpu.memory_space<hbm>> -> memref<1x80x128xi32, #tpu.memory_space<hbm>>
      %dma_wait3A_58 = tpu.memref_squeeze %dma_wait3A_57 : memref<1x80x128xi32, #tpu.memory_space<hbm>> -> memref<80x128xi32, #tpu.memory_space<hbm>>
      tpu.wait_dma2 semaphore(%run_scoped3A : memref<!tpu.dma_semaphore, #tpu.memory_space<semaphore_mem>>) src(%dma_wait3A_58 : memref<80x128xi32, #tpu.memory_space<hbm>>) dst(%arg5 : memref<80x128xi32, #tpu.memory_space<vmem>>)
      tpu.yield
    }) : () -> ()
    %add3A_4 = arith.constant 0 : i32
    %add3A_5 = vector.broadcast %add3A_4 : i32 to vector<16xi32>
    %add3A_6 = arith.addi %iota3A, %add3A_5 : vector<16xi32>
    %swap3A = arith.constant 0 : index
    %swap3A_7 = tpu.vector_load %arg7[%swap3A] {strides = array<i32>} : memref<80xi32, #tpu.memory_space<vmem>>, vector<16xi32>,
    tpu.vector_store %arg7[%swap3A], %add3A_6 {strides = array<i32>} : memref<80xi32, #tpu.memory_space<vmem>>, vector<16xi32>,
    %add3A_8 = arith.constant 16 : i32
    %add3A_9 = vector.broadcast %add3A_8 : i32 to vector<16xi32>
    %add3A_10 = arith.addi %iota3A, %add3A_9 : vector<16xi32>
    %swap3A_11 = arith.constant 16 : index
    %swap3A_12 = tpu.vector_load %arg7[%swap3A_11] {strides = array<i32>} : memref<80xi32, #tpu.memory_space<vmem>>, vector<16xi32>,
    tpu.vector_store %arg7[%swap3A_11], %add3A_10 {strides = array<i32>} : memref<80xi32, #tpu.memory_space<vmem>>, vector<16xi32>,
    %add3A_13 = arith.constant 32 : i32
    %add3A_14 = vector.broadcast %add3A_13 : i32 to vector<16xi32>
    %add3A_15 = arith.addi %iota3A, %add3A_14 : vector<16xi32>
    %swap3A_16 = arith.constant 32 : index
    %swap3A_17 = tpu.vector_load %arg7[%swap3A_16] {strides = array<i32>} : memref<80xi32, #tpu.memory_space<vmem>>, vector<16xi32>,
    tpu.vector_store %arg7[%swap3A_16], %add3A_15 {strides = array<i32>} : memref<80xi32, #tpu.memory_space<vmem>>, vector<16xi32>,
    %add3A_18 = arith.constant 48 : i32
    %add3A_19 = vector.broadcast %add3A_18 : i32 to vector<16xi32>
    %add3A_20 = arith.addi %iota3A, %add3A_19 : vector<16xi32>
    %swap3A_21 = arith.constant 48 : index
    %swap3A_22 = tpu.vector_load %arg7[%swap3A_21] {strides = array<i32>} : memref<80xi32, #tpu.memory_space<vmem>>, vector<16xi32>,
    tpu.vector_store %arg7[%swap3A_21], %add3A_20 {strides = array<i32>} : memref<80xi32, #tpu.memory_space<vmem>>, vector<16xi32>,
    %add3A_23 = arith.constant 64 : i32
    %add3A_24 = vector.broadcast %add3A_23 : i32 to vector<16xi32>
    %add3A_25 = arith.addi %iota3A, %add3A_24 : vector<16xi32>
    %swap3A_26 = arith.constant 64 : index
    %swap3A_27 = tpu.vector_load %arg7[%swap3A_26] {strides = array<i32>} : memref<80xi32, #tpu.memory_space<vmem>>, vector<16xi32>,
    tpu.vector_store %arg7[%swap3A_26], %add3A_25 {strides = array<i32>} : memref<80xi32, #tpu.memory_space<vmem>>, vector<16xi32>,
    %scan3A = arith.constant 0 : i32
    %scan3A_28 = arith.constant 0 : i32
    %scan3A_29 = arith.constant 80 : i32
    %scan3A_30 = arith.addi %scan3A_28, %scan3A_29 : i32
    %scan3A_31 = arith.constant 1 : i32
    scf.for %scan3A_45 = %scan3A_28 to %scan3A_30 step %scan3A_31  : i32 {
      %swap3A_46 = arith.index_cast %scan3A_45 : i32 to index
      %swap3A_47 = arith.constant 0 : index
      %swap3A_48 = tpu.vector_load %arg6[%swap3A_46, %swap3A_47] {strides = array<i32>} : memref<80x128xf32, #tpu.memory_space<vmem>>, vector<16xf32>,
      tpu.vector_store %arg6[%swap3A_46, %swap3A_47], %broadcast_in_dim3A_1 {strides = array<i32>} : memref<80x128xf32, #tpu.memory_space<vmem>>, vector<16xf32>,
      %swap3A_49 = arith.index_cast %scan3A_45 : i32 to index
      %swap3A_50 = arith.constant 16 : index
      %swap3A_51 = tpu.vector_load %arg6[%swap3A_49, %swap3A_50] {strides = array<i32>} : memref<80x128xf32, #tpu.memory_space<vmem>>, vector<16xf32>,
      tpu.vector_store %arg6[%swap3A_49, %swap3A_50], %broadcast_in_dim3A_1 {strides = array<i32>} : memref<80x128xf32, #tpu.memory_space<vmem>>, vector<16xf32>,
      %swap3A_52 = arith.index_cast %scan3A_45 : i32 to index
      %swap3A_53 = arith.constant 32 : index
      %swap3A_54 = tpu.vector_load %arg6[%swap3A_52, %swap3A_53] {strides = array<i32>} : memref<80x128xf32, #tpu.memory_space<vmem>>, vector<16xf32>,
      tpu.vector_store %arg6[%swap3A_52, %swap3A_53], %broadcast_in_dim3A_1 {strides = array<i32>} : memref<80x128xf32, #tpu.memory_space<vmem>>, vector<16xf32>,
      %swap3A_55 = arith.index_cast %scan3A_45 : i32 to index
      %swap3A_56 = arith.constant 48 : index
      %swap3A_57 = tpu.vector_load %arg6[%swap3A_55, %swap3A_56] {strides = array<i32>} : memref<80x128xf32, #tpu.memory_space<vmem>>, vector<16xf32>,
      tpu.vector_store %arg6[%swap3A_55, %swap3A_56], %broadcast_in_dim3A_1 {strides = array<i32>} : memref<80x128xf32, #tpu.memory_space<vmem>>, vector<16xf32>,
      %swap3A_58 = arith.index_cast %scan3A_45 : i32 to index
      %swap3A_59 = arith.constant 64 : index
      %swap3A_60 = tpu.vector_load %arg6[%swap3A_58, %swap3A_59] {strides = array<i32>} : memref<80x128xf32, #tpu.memory_space<vmem>>, vector<16xf32>,
      tpu.vector_store %arg6[%swap3A_58, %swap3A_59], %broadcast_in_dim3A_1 {strides = array<i32>} : memref<80x128xf32, #tpu.memory_space<vmem>>, vector<16xf32>,
      %swap3A_61 = arith.index_cast %scan3A_45 : i32 to index
      %swap3A_62 = arith.constant 80 : index
      %swap3A_63 = tpu.vector_load %arg6[%swap3A_61, %swap3A_62] {strides = array<i32>} : memref<80x128xf32, #tpu.memory_space<vmem>>, vector<16xf32>,
      tpu.vector_store %arg6[%swap3A_61, %swap3A_62], %broadcast_in_dim3A_1 {strides = array<i32>} : memref<80x128xf32, #tpu.memory_space<vmem>>, vector<16xf32>,
      %swap3A_64 = arith.index_cast %scan3A_45 : i32 to index
      %swap3A_65 = arith.constant 96 : index
      %swap3A_66 = tpu.vector_load %arg6[%swap3A_64, %swap3A_65] {strides = array<i32>} : memref<80x128xf32, #tpu.memory_space<vmem>>, vector<16xf32>,
      tpu.vector_store %arg6[%swap3A_64, %swap3A_65], %broadcast_in_dim3A_1 {strides = array<i32>} : memref<80x128xf32, #tpu.memory_space<vmem>>, vector<16xf32>,
      %swap3A_67 = arith.index_cast %scan3A_45 : i32 to index
      %swap3A_68 = arith.constant 112 : index
      %swap3A_69 = tpu.vector_load %arg6[%swap3A_67, %swap3A_68] {strides = array<i32>} : memref<80x128xf32, #tpu.memory_space<vmem>>, vector<16xf32>,
      tpu.vector_store %arg6[%swap3A_67, %swap3A_68], %broadcast_in_dim3A_1 {strides = array<i32>} : memref<80x128xf32, #tpu.memory_space<vmem>>, vector<16xf32>,
    }
    %scan3A_32 = arith.constant 80 : i32
    %scan3A_33 = arith.constant 0 : i32
    %scan3A_34 = arith.constant 0 : i32
    %scan3A_35 = arith.constant 80 : i32
    %scan3A_36 = arith.addi %scan3A_34, %scan3A_35 : i32
    %scan3A_37 = arith.constant 1 : i32
    scf.for %scan3A_45 = %scan3A_34 to %scan3A_36 step %scan3A_37  : i32 {
      %get3A = arith.index_cast %scan3A_45 : i32 to index
      %get3A_46 = arith.constant 0 : index
      %get3A_47 = tpu.vector_load %arg5[%get3A, %get3A_46] {strides = array<i32>} : memref<80x128xi32, #tpu.memory_space<vmem>>, vector<16xi32>,
      %broadcast_in_dim3A_48 = arith.constant true
      %broadcast_in_dim3A_49 = vector.broadcast %broadcast_in_dim3A_48 : i1 to vector<16xi1>
      %unique3A, %unique3A_50 = tpu.scan_count mask(%broadcast_in_dim3A_49 : vector<16xi1>) value(%get3A_47 : vector<16xi32>) : vector<16xi1>, vector<16xi32>
      %shift_right_logical3A = arith.constant 7 : i32
      %shift_right_logical3A_51 = vector.broadcast %shift_right_logical3A : i32 to vector<16xi32>
      %shift_right_logical3A_52 = arith.shrui %get3A_47, %shift_right_logical3A_51 : vector<16xi32>
      %and3A = arith.constant 127 : i32
      %and3A_53 = vector.broadcast %and3A : i32 to vector<16xi32>
      %and3A_54 = arith.andi %get3A_47, %and3A_53 : vector<16xi32>
      %convert_element_type3A_55 = arith.sitofp %unique3A_50 : vector<16xi32> to vector<16xf32>
      tpu.vector_store_idx %arg6[%shift_right_logical3A_52, %and3A_54], %convert_element_type3A_55 masked %unique3A {add = true} : memref<80x128xf32, #tpu.memory_space<vmem>>[vector<16xi32>, vector<16xi32>], vector<16xf32>, vector<16xi1>
      %get3A_56 = arith.index_cast %scan3A_45 : i32 to index
      %get3A_57 = arith.constant 16 : index
      %get3A_58 = tpu.vector_load %arg5[%get3A_56, %get3A_57] {strides = array<i32>} : memref<80x128xi32, #tpu.memory_space<vmem>>, vector<16xi32>,
      %broadcast_in_dim3A_59 = arith.constant true
      %broadcast_in_dim3A_60 = vector.broadcast %broadcast_in_dim3A_59 : i1 to vector<16xi1>
      %unique3A_61, %unique3A_62 = tpu.scan_count mask(%broadcast_in_dim3A_60 : vector<16xi1>) value(%get3A_58 : vector<16xi32>) : vector<16xi1>, vector<16xi32>
      %shift_right_logical3A_63 = arith.constant 7 : i32
      %shift_right_logical3A_64 = vector.broadcast %shift_right_logical3A_63 : i32 to vector<16xi32>
      %shift_right_logical3A_65 = arith.shrui %get3A_58, %shift_right_logical3A_64 : vector<16xi32>
      %and3A_66 = arith.constant 127 : i32
      %and3A_67 = vector.broadcast %and3A_66 : i32 to vector<16xi32>
      %and3A_68 = arith.andi %get3A_58, %and3A_67 : vector<16xi32>
      %convert_element_type3A_69 = arith.sitofp %unique3A_62 : vector<16xi32> to vector<16xf32>
      tpu.vector_store_idx %arg6[%shift_right_logical3A_65, %and3A_68], %convert_element_type3A_69 masked %unique3A_61 {add = true} : memref<80x128xf32, #tpu.memory_space<vmem>>[vector<16xi32>, vector<16xi32>], vector<16xf32>, vector<16xi1>
      %get3A_70 = arith.index_cast %scan3A_45 : i32 to index
      %get3A_71 = arith.constant 32 : index
      %get3A_72 = tpu.vector_load %arg5[%get3A_70, %get3A_71] {strides = array<i32>} : memref<80x128xi32, #tpu.memory_space<vmem>>, vector<16xi32>,
      %broadcast_in_dim3A_73 = arith.constant true
      %broadcast_in_dim3A_74 = vector.broadcast %broadcast_in_dim3A_73 : i1 to vector<16xi1>
      %unique3A_75, %unique3A_76 = tpu.scan_count mask(%broadcast_in_dim3A_74 : vector<16xi1>) value(%get3A_72 : vector<16xi32>) : vector<16xi1>, vector<16xi32>
      %shift_right_logical3A_77 = arith.constant 7 : i32
      %shift_right_logical3A_78 = vector.broadcast %shift_right_logical3A_77 : i32 to vector<16xi32>
      %shift_right_logical3A_79 = arith.shrui %get3A_72, %shift_right_logical3A_78 : vector<16xi32>
      %and3A_80 = arith.constant 127 : i32
      %and3A_81 = vector.broadcast %and3A_80 : i32 to vector<16xi32>
      %and3A_82 = arith.andi %get3A_72, %and3A_81 : vector<16xi32>
      %convert_element_type3A_83 = arith.sitofp %unique3A_76 : vector<16xi32> to vector<16xf32>
      tpu.vector_store_idx %arg6[%shift_right_logical3A_79, %and3A_82], %convert_element_type3A_83 masked %unique3A_75 {add = true} : memref<80x128xf32, #tpu.memory_space<vmem>>[vector<16xi32>, vector<16xi32>], vector<16xf32>, vector<16xi1>
      %get3A_84 = arith.index_cast %scan3A_45 : i32 to index
      %get3A_85 = arith.constant 48 : index
      %get3A_86 = tpu.vector_load %arg5[%get3A_84, %get3A_85] {strides = array<i32>} : memref<80x128xi32, #tpu.memory_space<vmem>>, vector<16xi32>,
      %broadcast_in_dim3A_87 = arith.constant true
      %broadcast_in_dim3A_88 = vector.broadcast %broadcast_in_dim3A_87 : i1 to vector<16xi1>
      %unique3A_89, %unique3A_90 = tpu.scan_count mask(%broadcast_in_dim3A_88 : vector<16xi1>) value(%get3A_86 : vector<16xi32>) : vector<16xi1>, vector<16xi32>
      %shift_right_logical3A_91 = arith.constant 7 : i32
      %shift_right_logical3A_92 = vector.broadcast %shift_right_logical3A_91 : i32 to vector<16xi32>
      %shift_right_logical3A_93 = arith.shrui %get3A_86, %shift_right_logical3A_92 : vector<16xi32>
      %and3A_94 = arith.constant 127 : i32
      %and3A_95 = vector.broadcast %and3A_94 : i32 to vector<16xi32>
      %and3A_96 = arith.andi %get3A_86, %and3A_95 : vector<16xi32>
      %convert_element_type3A_97 = arith.sitofp %unique3A_90 : vector<16xi32> to vector<16xf32>
      tpu.vector_store_idx %arg6[%shift_right_logical3A_93, %and3A_96], %convert_element_type3A_97 masked %unique3A_89 {add = true} : memref<80x128xf32, #tpu.memory_space<vmem>>[vector<16xi32>, vector<16xi32>], vector<16xf32>, vector<16xi1>
      %get3A_98 = arith.index_cast %scan3A_45 : i32 to index
      %get3A_99 = arith.constant 64 : index
      %get3A_100 = tpu.vector_load %arg5[%get3A_98, %get3A_99] {strides = array<i32>} : memref<80x128xi32, #tpu.memory_space<vmem>>, vector<16xi32>,
      %broadcast_in_dim3A_101 = arith.constant true
      %broadcast_in_dim3A_102 = vector.broadcast %broadcast_in_dim3A_101 : i1 to vector<16xi1>
      %unique3A_103, %unique3A_104 = tpu.scan_count mask(%broadcast_in_dim3A_102 : vector<16xi1>) value(%get3A_100 : vector<16xi32>) : vector<16xi1>, vector<16xi32>
      %shift_right_logical3A_105 = arith.constant 7 : i32
      %shift_right_logical3A_106 = vector.broadcast %shift_right_logical3A_105 : i32 to vector<16xi32>
      %shift_right_logical3A_107 = arith.shrui %get3A_100, %shift_right_logical3A_106 : vector<16xi32>
      %and3A_108 = arith.constant 127 : i32
      %and3A_109 = vector.broadcast %and3A_108 : i32 to vector<16xi32>
      %and3A_110 = arith.andi %get3A_100, %and3A_109 : vector<16xi32>
      %convert_element_type3A_111 = arith.sitofp %unique3A_104 : vector<16xi32> to vector<16xf32>
      tpu.vector_store_idx %arg6[%shift_right_logical3A_107, %and3A_110], %convert_element_type3A_111 masked %unique3A_103 {add = true} : memref<80x128xf32, #tpu.memory_space<vmem>>[vector<16xi32>, vector<16xi32>], vector<16xf32>, vector<16xi1>
      %get3A_112 = arith.index_cast %scan3A_45 : i32 to index
      %get3A_113 = arith.constant 80 : index
      %get3A_114 = tpu.vector_load %arg5[%get3A_112, %get3A_113] {strides = array<i32>} : memref<80x128xi32, #tpu.memory_space<vmem>>, vector<16xi32>,
      %broadcast_in_dim3A_115 = arith.constant true
      %broadcast_in_dim3A_116 = vector.broadcast %broadcast_in_dim3A_115 : i1 to vector<16xi1>
      %unique3A_117, %unique3A_118 = tpu.scan_count mask(%broadcast_in_dim3A_116 : vector<16xi1>) value(%get3A_114 : vector<16xi32>) : vector<16xi1>, vector<16xi32>
      %shift_right_logical3A_119 = arith.constant 7 : i32
      %shift_right_logical3A_120 = vector.broadcast %shift_right_logical3A_119 : i32 to vector<16xi32>
      %shift_right_logical3A_121 = arith.shrui %get3A_114, %shift_right_logical3A_120 : vector<16xi32>
      %and3A_122 = arith.constant 127 : i32
      %and3A_123 = vector.broadcast %and3A_122 : i32 to vector<16xi32>
      %and3A_124 = arith.andi %get3A_114, %and3A_123 : vector<16xi32>
      %convert_element_type3A_125 = arith.sitofp %unique3A_118 : vector<16xi32> to vector<16xf32>
      tpu.vector_store_idx %arg6[%shift_right_logical3A_121, %and3A_124], %convert_element_type3A_125 masked %unique3A_117 {add = true} : memref<80x128xf32, #tpu.memory_space<vmem>>[vector<16xi32>, vector<16xi32>], vector<16xf32>, vector<16xi1>
      %get3A_126 = arith.index_cast %scan3A_45 : i32 to index
      %get3A_127 = arith.constant 96 : index
      %get3A_128 = tpu.vector_load %arg5[%get3A_126, %get3A_127] {strides = array<i32>} : memref<80x128xi32, #tpu.memory_space<vmem>>, vector<16xi32>,
      %broadcast_in_dim3A_129 = arith.constant true
      %broadcast_in_dim3A_130 = vector.broadcast %broadcast_in_dim3A_129 : i1 to vector<16xi1>
      %unique3A_131, %unique3A_132 = tpu.scan_count mask(%broadcast_in_dim3A_130 : vector<16xi1>) value(%get3A_128 : vector<16xi32>) : vector<16xi1>, vector<16xi32>
      %shift_right_logical3A_133 = arith.constant 7 : i32
      %shift_right_logical3A_134 = vector.broadcast %shift_right_logical3A_133 : i32 to vector<16xi32>
      %shift_right_logical3A_135 = arith.shrui %get3A_128, %shift_right_logical3A_134 : vector<16xi32>
      %and3A_136 = arith.constant 127 : i32
      %and3A_137 = vector.broadcast %and3A_136 : i32 to vector<16xi32>
      %and3A_138 = arith.andi %get3A_128, %and3A_137 : vector<16xi32>
      %convert_element_type3A_139 = arith.sitofp %unique3A_132 : vector<16xi32> to vector<16xf32>
      tpu.vector_store_idx %arg6[%shift_right_logical3A_135, %and3A_138], %convert_element_type3A_139 masked %unique3A_131 {add = true} : memref<80x128xf32, #tpu.memory_space<vmem>>[vector<16xi32>, vector<16xi32>], vector<16xf32>, vector<16xi1>
      %get3A_140 = arith.index_cast %scan3A_45 : i32 to index
      %get3A_141 = arith.constant 112 : index
      %get3A_142 = tpu.vector_load %arg5[%get3A_140, %get3A_141] {strides = array<i32>} : memref<80x128xi32, #tpu.memory_space<vmem>>, vector<16xi32>,
      %broadcast_in_dim3A_143 = arith.constant true
      %broadcast_in_dim3A_144 = vector.broadcast %broadcast_in_dim3A_143 : i1 to vector<16xi1>
      %unique3A_145, %unique3A_146 = tpu.scan_count mask(%broadcast_in_dim3A_144 : vector<16xi1>) value(%get3A_142 : vector<16xi32>) : vector<16xi1>, vector<16xi32>
      %shift_right_logical3A_147 = arith.constant 7 : i32
      %shift_right_logical3A_148 = vector.broadcast %shift_right_logical3A_147 : i32 to vector<16xi32>
      %shift_right_logical3A_149 = arith.shrui %get3A_142, %shift_right_logical3A_148 : vector<16xi32>
      %and3A_150 = arith.constant 127 : i32
      %and3A_151 = vector.broadcast %and3A_150 : i32 to vector<16xi32>
      %and3A_152 = arith.andi %get3A_142, %and3A_151 : vector<16xi32>
      %convert_element_type3A_153 = arith.sitofp %unique3A_146 : vector<16xi32> to vector<16xf32>
      tpu.vector_store_idx %arg6[%shift_right_logical3A_149, %and3A_152], %convert_element_type3A_153 masked %unique3A_145 {add = true} : memref<80x128xf32, #tpu.memory_space<vmem>>[vector<16xi32>, vector<16xi32>], vector<16xf32>, vector<16xi1>
    }
    %scan3A_38 = arith.constant 80 : i32
    %barrier3A = arith.constant 0 : index
    tpu.barrier barrier_id(%barrier3A)
    "tpu.region"() ({
      %run_scoped3A = tpu.sem_alloc : memref<!tpu.dma_semaphore, #tpu.memory_space<semaphore_mem>>
      %dma_start3A = arith.constant 0 : i32
      %dma_start3A_45 = arith.constant 0 : i32
      %dma_start3A_46 = tpu.memref_slice %arg8[%dma_start3A, %dma_start3A_45] : memref<80x128xf32, #tpu.memory_space<vmem_shared>> -> memref<80x128xf32, #tpu.memory_space<vmem_shared>>
      tpu.enqueue_indirect_dma source(%arg6 : memref<80x128xf32, #tpu.memory_space<vmem>>) target(%dma_start3A_46 : memref<80x128xf32, #tpu.memory_space<vmem_shared>>) offsets(%arg7 : memref<80xi32, #tpu.memory_space<vmem>>) semaphore(%run_scoped3A : memref<!tpu.dma_semaphore, #tpu.memory_space<semaphore_mem>>) {add = true}
      %dma_wait3A = arith.constant 0 : i32
      %dma_wait3A_47 = arith.constant 0 : i32
      %dma_wait3A_48 = tpu.memref_slice %arg8[%dma_wait3A, %dma_wait3A_47] : memref<80x128xf32, #tpu.memory_space<vmem_shared>> -> memref<80x128xf32, #tpu.memory_space<vmem_shared>>
      tpu.wait_indirect_dma semaphore(%run_scoped3A : memref<!tpu.dma_semaphore, #tpu.memory_space<semaphore_mem>>) src(%arg6 : memref<80x128xf32, #tpu.memory_space<vmem>>) dst(%dma_wait3A_48 : memref<80x128xf32, #tpu.memory_space<vmem_shared>>)
      tpu.yield
    }) : () -> ()
    %barrier3A_39 = arith.constant 0 : index
    tpu.barrier barrier_id(%barrier3A_39)
    %lt3A_40 = arith.constant 10 : i32
    %lt3A_41 = arith.cmpi slt, %arg1, %lt3A_40 : i32
    %convert_element_type3A_42 = arith.extui %lt3A_41 : i1 to i32
    %cond3A_43 = arith.constant 0 : i32
    %cond3A_44 = arith.cmpi ne, %convert_element_type3A_42, %cond3A_43 : i32
    scf.if %cond3A_44 {
      %mul3A_45 = arith.constant 8 : i32
      %mul3A_46 = arith.muli %arg1, %mul3A_45 : i32
      %mul3A_47 = arith.constant 80 : i32
      %mul3A_48 = arith.muli %arg0, %mul3A_47 : i32
      %mul3A_49 = arith.constant 8 : i32
      %mul3A_50 = arith.muli %arg1, %mul3A_49 : i32
      %add3A_51 = arith.addi %mul3A_48, %mul3A_50 : i32
      "tpu.region"() ({
        %run_scoped3A = tpu.sem_alloc : memref<!tpu.dma_semaphore, #tpu.memory_space<semaphore_mem>>
        %dma_start3A = arith.constant 0 : i32
        %dma_start3A_52 = tpu.memref_slice %arg4[%add3A_51, %dma_start3A] : memref<160x128xf32, #tpu.memory_space<hbm>> -> memref<8x128xf32, #tpu.memory_space<hbm>>
        %dma_start3A_53 = arith.constant 0 : i32
        %dma_start3A_54 = tpu.memref_slice %arg8[%mul3A_46, %dma_start3A_53] : memref<80x128xf32, #tpu.memory_space<vmem_shared>> -> memref<8x128xf32, #tpu.memory_space<vmem_shared>>
        tpu.enqueue_dma source(%dma_start3A_54 : memref<8x128xf32, #tpu.memory_space<vmem_shared>>) target(%dma_start3A_52 : memref<8x128xf32, #tpu.memory_space<hbm>>) target_semaphore(%run_scoped3A : memref<!tpu.dma_semaphore, #tpu.memory_space<semaphore_mem>>)
        %dma_wait3A = arith.constant 0 : i32
        %dma_wait3A_55 = tpu.memref_slice %arg4[%add3A_51, %dma_wait3A] : memref<160x128xf32, #tpu.memory_space<hbm>> -> memref<8x128xf32, #tpu.memory_space<hbm>>
        %dma_wait3A_56 = arith.constant 0 : i32
        %dma_wait3A_57 = tpu.memref_slice %arg8[%mul3A_46, %dma_wait3A_56] : memref<80x128xf32, #tpu.memory_space<vmem_shared>> -> memref<8x128xf32, #tpu.memory_space<vmem_shared>>
        tpu.wait_dma2 semaphore(%run_scoped3A : memref<!tpu.dma_semaphore, #tpu.memory_space<semaphore_mem>>) src(%dma_wait3A_57 : memref<8x128xf32, #tpu.memory_space<vmem_shared>>) dst(%dma_wait3A_55 : memref<8x128xf32, #tpu.memory_space<hbm>>)
        tpu.yield
      }) : () -> ()
    } else {
    }
    return
  }
}

#map = affine_map<(d0, d1) -> (0, 0)>
#map1 = affine_map<(d0, d1) -> (0)>
module attributes {stable_mosaic.version = 14 : i64} {
  func.func @edge_kernel(%arg0: i32, %arg1: i32, %arg2: memref<10000x128xf32, #tpu.memory_space<hbm>>, %arg3: memref<320000xi32, #tpu.memory_space<hbm>>, %arg4: memref<320000xi32, #tpu.memory_space<hbm>>, %arg5: memref<10240x128xf32, #tpu.memory_space<hbm>>, %arg6: memref<20480x128xf32, #tpu.memory_space<hbm>>, %arg7: memref<80xi32, #tpu.memory_space<vmem>>, %arg8: memref<80xi32, #tpu.memory_space<vmem>>, %arg9: memref<80xi32, #tpu.memory_space<vmem>>, %arg10: memref<80xi32, #tpu.memory_space<vmem>>, %arg11: memref<80xi32, #tpu.memory_space<vmem>>, %arg12: memref<80xi32, #tpu.memory_space<vmem>>, %arg13: memref<80xi32, #tpu.memory_space<vmem>>, %arg14: memref<80xi32, #tpu.memory_space<vmem>>, %arg15: memref<80x128xf32, #tpu.memory_space<vmem>>, %arg16: memref<80x128xf32, #tpu.memory_space<vmem>>, %arg17: memref<80x128xf32, #tpu.memory_space<vmem>>, %arg18: memref<80x128xf32, #tpu.memory_space<vmem>>, %arg19: memref<!tpu.dma_semaphore, #tpu.memory_space<semaphore_mem>>, %arg20: memref<!tpu.dma_semaphore, #tpu.memory_space<semaphore_mem>>, %arg21: memref<!tpu.dma_semaphore, #tpu.memory_space<semaphore_mem>>, %arg22: memref<!tpu.dma_semaphore, #tpu.memory_space<semaphore_mem>>, %arg23: memref<!tpu.dma_semaphore, #tpu.memory_space<semaphore_mem>>, %arg24: memref<!tpu.dma_semaphore, #tpu.memory_space<semaphore_mem>>, %arg25: memref<!tpu.dma_semaphore, #tpu.memory_space<semaphore_mem>>, %arg26: memref<!tpu.dma_semaphore, #tpu.memory_space<semaphore_mem>>, %arg27: memref<!tpu.dma_semaphore, #tpu.memory_space<semaphore_mem>>, %arg28: memref<!tpu.dma_semaphore, #tpu.memory_space<semaphore_mem>>, %arg29: memref<!tpu.dma_semaphore, #tpu.memory_space<semaphore_mem>>, %arg30: memref<!tpu.dma_semaphore, #tpu.memory_space<semaphore_mem>>, %arg31: memref<10240x128xf32, #tpu.memory_space<vmem_shared>>) attributes {dimension_semantics = [#tpu.dimension_semantics<core_parallel>, #tpu.dimension_semantics<subcore_parallel>], iteration_bounds = array<i64: 2, 16>, scalar_prefetch = 0 : i64, scratch_operands = 25 : i64, tpu.core_type = #tpu.core_type<sc_vector_subcore>, window_params = [{transform_indices = #map}, {transform_indices = #map1}, {transform_indices = #map1}, {transform_indices = #map}, {transform_indices = #map}]} {
    %mul3A = arith.constant 16 : i32
    %mul3A_0 = arith.muli %arg0, %mul3A : i32
    %add3A = arith.addi %mul3A_0, %arg1 : i32
    %mul3A_1 = arith.constant 640 : i32
    %mul3A_2 = arith.muli %arg1, %mul3A_1 : i32
    %mul3A_3 = arith.constant 640 : i32
    %mul3A_4 = arith.muli %arg1, %mul3A_3 : i32
    "tpu.region"() ({
      %run_scoped3A = tpu.sem_alloc : memref<!tpu.dma_semaphore, #tpu.memory_space<semaphore_mem>>
      %dma_start3A_63 = arith.constant 0 : i32
      %dma_start3A_64 = tpu.memref_slice %arg31[%mul3A_4, %dma_start3A_63] : memref<10240x128xf32, #tpu.memory_space<vmem_shared>> -> memref<640x128xf32, #tpu.memory_space<vmem_shared>>
      %dma_start3A_65 = arith.constant 0 : i32
      %dma_start3A_66 = tpu.memref_slice %arg5[%mul3A_2, %dma_start3A_65] : memref<10240x128xf32, #tpu.memory_space<hbm>> -> memref<640x128xf32, #tpu.memory_space<hbm>>
      tpu.enqueue_dma source(%dma_start3A_66 : memref<640x128xf32, #tpu.memory_space<hbm>>) target(%dma_start3A_64 : memref<640x128xf32, #tpu.memory_space<vmem_shared>>) target_semaphore(%run_scoped3A : memref<!tpu.dma_semaphore, #tpu.memory_space<semaphore_mem>>)
      %dma_wait3A_67 = arith.constant 0 : i32
      %dma_wait3A_68 = tpu.memref_slice %arg31[%mul3A_4, %dma_wait3A_67] : memref<10240x128xf32, #tpu.memory_space<vmem_shared>> -> memref<640x128xf32, #tpu.memory_space<vmem_shared>>
      %dma_wait3A_69 = arith.constant 0 : i32
      %dma_wait3A_70 = tpu.memref_slice %arg5[%mul3A_2, %dma_wait3A_69] : memref<10240x128xf32, #tpu.memory_space<hbm>> -> memref<640x128xf32, #tpu.memory_space<hbm>>
      tpu.wait_dma2 semaphore(%run_scoped3A : memref<!tpu.dma_semaphore, #tpu.memory_space<semaphore_mem>>) src(%dma_wait3A_70 : memref<640x128xf32, #tpu.memory_space<hbm>>) dst(%dma_wait3A_68 : memref<640x128xf32, #tpu.memory_space<vmem_shared>>)
      tpu.yield
    }) : () -> ()
    %barrier3A = arith.constant 0 : index
    tpu.barrier barrier_id(%barrier3A)
    %mul3A_5 = arith.constant 10000 : i32
    %mul3A_6 = arith.muli %add3A, %mul3A_5 : i32
    %add3A_7 = arith.constant 0 : i32
    %add3A_8 = arith.addi %mul3A_6, %add3A_7 : i32
    %multiple_of3A = tpu.assume_multiple %add3A_8, 8 : i32
    %dma_start3A = tpu.memref_slice %arg3[%multiple_of3A] : memref<320000xi32, #tpu.memory_space<hbm>> -> memref<80xi32, #tpu.memory_space<hbm>>
    %dma_start3A_9 = tpu.memref_slice %arg3[%multiple_of3A] : memref<320000xi32, #tpu.memory_space<hbm>> -> memref<80xi32, #tpu.memory_space<hbm>>
    tpu.enqueue_dma source(%dma_start3A_9 : memref<80xi32, #tpu.memory_space<hbm>>) target(%arg7 : memref<80xi32, #tpu.memory_space<vmem>>) target_semaphore(%arg23 : memref<!tpu.dma_semaphore, #tpu.memory_space<semaphore_mem>>)
    %dma_wait3A = tpu.memref_slice %arg3[%multiple_of3A] : memref<320000xi32, #tpu.memory_space<hbm>> -> memref<80xi32, #tpu.memory_space<hbm>>
    %dma_wait3A_10 = tpu.memref_slice %arg3[%multiple_of3A] : memref<320000xi32, #tpu.memory_space<hbm>> -> memref<80xi32, #tpu.memory_space<hbm>>
    tpu.wait_dma2 semaphore(%arg23 : memref<!tpu.dma_semaphore, #tpu.memory_space<semaphore_mem>>) src(%dma_wait3A_10 : memref<80xi32, #tpu.memory_space<hbm>>) dst(%arg7 : memref<80xi32, #tpu.memory_space<vmem>>)
    %dma_start3A_11 = tpu.memref_slice %arg4[%multiple_of3A] : memref<320000xi32, #tpu.memory_space<hbm>> -> memref<80xi32, #tpu.memory_space<hbm>>
    %dma_start3A_12 = tpu.memref_slice %arg4[%multiple_of3A] : memref<320000xi32, #tpu.memory_space<hbm>> -> memref<80xi32, #tpu.memory_space<hbm>>
    tpu.enqueue_dma source(%dma_start3A_12 : memref<80xi32, #tpu.memory_space<hbm>>) target(%arg11 : memref<80xi32, #tpu.memory_space<vmem>>) target_semaphore(%arg23 : memref<!tpu.dma_semaphore, #tpu.memory_space<semaphore_mem>>)
    %dma_wait3A_13 = tpu.memref_slice %arg4[%multiple_of3A] : memref<320000xi32, #tpu.memory_space<hbm>> -> memref<80xi32, #tpu.memory_space<hbm>>
    %dma_wait3A_14 = tpu.memref_slice %arg4[%multiple_of3A] : memref<320000xi32, #tpu.memory_space<hbm>> -> memref<80xi32, #tpu.memory_space<hbm>>
    tpu.wait_dma2 semaphore(%arg23 : memref<!tpu.dma_semaphore, #tpu.memory_space<semaphore_mem>>) src(%dma_wait3A_14 : memref<80xi32, #tpu.memory_space<hbm>>) dst(%arg11 : memref<80xi32, #tpu.memory_space<vmem>>)
    %dma_start3A_15 = arith.constant 0 : i32
    %dma_start3A_16 = arith.constant 0 : i32
    %dma_start3A_17 = tpu.memref_slice %arg2[%dma_start3A_15, %dma_start3A_16] : memref<10000x128xf32, #tpu.memory_space<hbm>> -> memref<10000x128xf32, #tpu.memory_space<hbm>>
    tpu.enqueue_indirect_dma source(%dma_start3A_17 : memref<10000x128xf32, #tpu.memory_space<hbm>>) target(%arg15 : memref<80x128xf32, #tpu.memory_space<vmem>>) offsets(%arg7 : memref<80xi32, #tpu.memory_space<vmem>>) semaphore(%arg19 : memref<!tpu.dma_semaphore, #tpu.memory_space<semaphore_mem>>)
    %add3A_18 = arith.constant 80 : i32
    %add3A_19 = arith.addi %mul3A_6, %add3A_18 : i32
    %multiple_of3A_20 = tpu.assume_multiple %add3A_19, 8 : i32
    %dma_start3A_21 = tpu.memref_slice %arg3[%multiple_of3A_20] : memref<320000xi32, #tpu.memory_space<hbm>> -> memref<80xi32, #tpu.memory_space<hbm>>
    %dma_start3A_22 = tpu.memref_slice %arg3[%multiple_of3A_20] : memref<320000xi32, #tpu.memory_space<hbm>> -> memref<80xi32, #tpu.memory_space<hbm>>
    tpu.enqueue_dma source(%dma_start3A_22 : memref<80xi32, #tpu.memory_space<hbm>>) target(%arg8 : memref<80xi32, #tpu.memory_space<vmem>>) target_semaphore(%arg24 : memref<!tpu.dma_semaphore, #tpu.memory_space<semaphore_mem>>)
    %dma_wait3A_23 = tpu.memref_slice %arg3[%multiple_of3A_20] : memref<320000xi32, #tpu.memory_space<hbm>> -> memref<80xi32, #tpu.memory_space<hbm>>
    %dma_wait3A_24 = tpu.memref_slice %arg3[%multiple_of3A_20] : memref<320000xi32, #tpu.memory_space<hbm>> -> memref<80xi32, #tpu.memory_space<hbm>>
    tpu.wait_dma2 semaphore(%arg24 : memref<!tpu.dma_semaphore, #tpu.memory_space<semaphore_mem>>) src(%dma_wait3A_24 : memref<80xi32, #tpu.memory_space<hbm>>) dst(%arg8 : memref<80xi32, #tpu.memory_space<vmem>>)
    %dma_start3A_25 = tpu.memref_slice %arg4[%multiple_of3A_20] : memref<320000xi32, #tpu.memory_space<hbm>> -> memref<80xi32, #tpu.memory_space<hbm>>
    %dma_start3A_26 = tpu.memref_slice %arg4[%multiple_of3A_20] : memref<320000xi32, #tpu.memory_space<hbm>> -> memref<80xi32, #tpu.memory_space<hbm>>
    tpu.enqueue_dma source(%dma_start3A_26 : memref<80xi32, #tpu.memory_space<hbm>>) target(%arg12 : memref<80xi32, #tpu.memory_space<vmem>>) target_semaphore(%arg24 : memref<!tpu.dma_semaphore, #tpu.memory_space<semaphore_mem>>)
    %dma_wait3A_27 = tpu.memref_slice %arg4[%multiple_of3A_20] : memref<320000xi32, #tpu.memory_space<hbm>> -> memref<80xi32, #tpu.memory_space<hbm>>
    %dma_wait3A_28 = tpu.memref_slice %arg4[%multiple_of3A_20] : memref<320000xi32, #tpu.memory_space<hbm>> -> memref<80xi32, #tpu.memory_space<hbm>>
    tpu.wait_dma2 semaphore(%arg24 : memref<!tpu.dma_semaphore, #tpu.memory_space<semaphore_mem>>) src(%dma_wait3A_28 : memref<80xi32, #tpu.memory_space<hbm>>) dst(%arg12 : memref<80xi32, #tpu.memory_space<vmem>>)
    %dma_start3A_29 = arith.constant 0 : i32
    %dma_start3A_30 = arith.constant 0 : i32
    %dma_start3A_31 = tpu.memref_slice %arg2[%dma_start3A_29, %dma_start3A_30] : memref<10000x128xf32, #tpu.memory_space<hbm>> -> memref<10000x128xf32, #tpu.memory_space<hbm>>
    tpu.enqueue_indirect_dma source(%dma_start3A_31 : memref<10000x128xf32, #tpu.memory_space<hbm>>) target(%arg16 : memref<80x128xf32, #tpu.memory_space<vmem>>) offsets(%arg8 : memref<80xi32, #tpu.memory_space<vmem>>) semaphore(%arg20 : memref<!tpu.dma_semaphore, #tpu.memory_space<semaphore_mem>>)
    %scan3A = arith.constant 0 : i32
    %scan3A_32 = arith.constant 0 : i32
    %scan3A_33 = arith.constant 31 : i32
    %scan3A_34 = arith.addi %scan3A_32, %scan3A_33 : i32
    %scan3A_35 = arith.constant 1 : i32
    scf.for %scan3A_63 = %scan3A_32 to %scan3A_34 step %scan3A_35  : i32 {
      %mul3A_64 = arith.constant 4 : i32
      %mul3A_65 = arith.muli %scan3A_63, %mul3A_64 : i32
      %add3A_66 = arith.constant 0 : i32
      %add3A_67 = arith.addi %mul3A_65, %add3A_66 : i32
      %dma_wait3A_68 = arith.constant 0 : i32
      %dma_wait3A_69 = arith.constant 0 : i32
      %dma_wait3A_70 = tpu.memref_slice %arg2[%dma_wait3A_68, %dma_wait3A_69] : memref<10000x128xf32, #tpu.memory_space<hbm>> -> memref<10000x128xf32, #tpu.memory_space<hbm>>
      tpu.wait_indirect_dma semaphore(%arg19 : memref<!tpu.dma_semaphore, #tpu.memory_space<semaphore_mem>>) src(%dma_wait3A_70 : memref<10000x128xf32, #tpu.memory_space<hbm>>) dst(%arg15 : memref<80x128xf32, #tpu.memory_space<vmem>>)
      %add3A_71 = arith.constant 2 : i32
      %add3A_72 = arith.addi %add3A_67, %add3A_71 : i32
      %lt3A = arith.constant 125 : i32
      %lt3A_73 = arith.cmpi slt, %add3A_72, %lt3A : i32
      %convert_element_type3A = arith.extui %lt3A_73 : i1 to i32
      %cond3A = arith.constant 0 : i32
      %cond3A_74 = arith.cmpi ne, %convert_element_type3A, %cond3A : i32
      scf.if %cond3A_74 {
        %sub3A = arith.constant 2 : i32
        %sub3A_157 = arith.subi %add3A_67, %sub3A : i32
        %ge3A = arith.constant 0 : i32
        %ge3A_158 = arith.cmpi sge, %sub3A_157, %ge3A : i32
        %convert_element_type3A_159 = arith.extui %ge3A_158 : i1 to i32
        %cond3A_160 = arith.constant 0 : i32
        %cond3A_161 = arith.cmpi ne, %convert_element_type3A_159, %cond3A_160 : i32
        scf.if %cond3A_161 {
          %dma_wait3A_172 = arith.constant 0 : i32
          %dma_wait3A_173 = arith.constant 0 : i32
          %dma_wait3A_174 = tpu.memref_slice %arg31[%dma_wait3A_172, %dma_wait3A_173] : memref<10240x128xf32, #tpu.memory_space<vmem_shared>> -> memref<10240x128xf32, #tpu.memory_space<vmem_shared>>
          tpu.wait_indirect_dma semaphore(%arg29 : memref<!tpu.dma_semaphore, #tpu.memory_space<semaphore_mem>>) src(%arg17 : memref<80x128xf32, #tpu.memory_space<vmem>>) dst(%dma_wait3A_174 : memref<10240x128xf32, #tpu.memory_space<vmem_shared>>)
        } else {
        }
        %add3A_162 = arith.constant 2 : i32
        %add3A_163 = arith.addi %add3A_67, %add3A_162 : i32
        %mul3A_164 = arith.constant 80 : i32
        %mul3A_165 = arith.muli %add3A_163, %mul3A_164 : i32
        %add3A_166 = arith.addi %mul3A_6, %mul3A_165 : i32
        %multiple_of3A_167 = tpu.assume_multiple %add3A_166, 8 : i32
        %dma_start3A_168 = tpu.memref_slice %arg3[%multiple_of3A_167] : memref<320000xi32, #tpu.memory_space<hbm>> -> memref<80xi32, #tpu.memory_space<hbm>>
        %dma_start3A_169 = tpu.memref_slice %arg3[%multiple_of3A_167] : memref<320000xi32, #tpu.memory_space<hbm>> -> memref<80xi32, #tpu.memory_space<hbm>>
        tpu.enqueue_dma source(%dma_start3A_169 : memref<80xi32, #tpu.memory_space<hbm>>) target(%arg9 : memref<80xi32, #tpu.memory_space<vmem>>) target_semaphore(%arg25 : memref<!tpu.dma_semaphore, #tpu.memory_space<semaphore_mem>>)
        %dma_start3A_170 = tpu.memref_slice %arg4[%multiple_of3A_167] : memref<320000xi32, #tpu.memory_space<hbm>> -> memref<80xi32, #tpu.memory_space<hbm>>
        %dma_start3A_171 = tpu.memref_slice %arg4[%multiple_of3A_167] : memref<320000xi32, #tpu.memory_space<hbm>> -> memref<80xi32, #tpu.memory_space<hbm>>
        tpu.enqueue_dma source(%dma_start3A_171 : memref<80xi32, #tpu.memory_space<hbm>>) target(%arg13 : memref<80xi32, #tpu.memory_space<vmem>>) target_semaphore(%arg25 : memref<!tpu.dma_semaphore, #tpu.memory_space<semaphore_mem>>)
      } else {
      }
      %dma_start3A_75 = arith.constant 0 : i32
      %dma_start3A_76 = arith.constant 0 : i32
      %dma_start3A_77 = tpu.memref_slice %arg31[%dma_start3A_75, %dma_start3A_76] : memref<10240x128xf32, #tpu.memory_space<vmem_shared>> -> memref<10240x128xf32, #tpu.memory_space<vmem_shared>>
      tpu.enqueue_indirect_dma source(%arg15 : memref<80x128xf32, #tpu.memory_space<vmem>>) target(%dma_start3A_77 : memref<10240x128xf32, #tpu.memory_space<vmem_shared>>) offsets(%arg11 : memref<80xi32, #tpu.memory_space<vmem>>) semaphore(%arg27 : memref<!tpu.dma_semaphore, #tpu.memory_space<semaphore_mem>>) {add = true}
      %add3A_78 = arith.constant 2 : i32
      %add3A_79 = arith.addi %add3A_67, %add3A_78 : i32
      %lt3A_80 = arith.constant 125 : i32
      %lt3A_81 = arith.cmpi slt, %add3A_79, %lt3A_80 : i32
      %convert_element_type3A_82 = arith.extui %lt3A_81 : i1 to i32
      %cond3A_83 = arith.constant 0 : i32
      %cond3A_84 = arith.cmpi ne, %convert_element_type3A_82, %cond3A_83 : i32
      scf.if %cond3A_84 {
        %add3A_157 = arith.constant 2 : i32
        %add3A_158 = arith.addi %add3A_67, %add3A_157 : i32
        %mul3A_159 = arith.constant 80 : i32
        %mul3A_160 = arith.muli %add3A_158, %mul3A_159 : i32
        %add3A_161 = arith.addi %mul3A_6, %mul3A_160 : i32
        %multiple_of3A_162 = tpu.assume_multiple %add3A_161, 8 : i32
        %dma_wait3A_163 = tpu.memref_slice %arg3[%multiple_of3A_162] : memref<320000xi32, #tpu.memory_space<hbm>> -> memref<80xi32, #tpu.memory_space<hbm>>
        %dma_wait3A_164 = tpu.memref_slice %arg3[%multiple_of3A_162] : memref<320000xi32, #tpu.memory_space<hbm>> -> memref<80xi32, #tpu.memory_space<hbm>>
        tpu.wait_dma2 semaphore(%arg25 : memref<!tpu.dma_semaphore, #tpu.memory_space<semaphore_mem>>) src(%dma_wait3A_164 : memref<80xi32, #tpu.memory_space<hbm>>) dst(%arg9 : memref<80xi32, #tpu.memory_space<vmem>>)
        %dma_wait3A_165 = tpu.memref_slice %arg4[%multiple_of3A_162] : memref<320000xi32, #tpu.memory_space<hbm>> -> memref<80xi32, #tpu.memory_space<hbm>>
        %dma_wait3A_166 = tpu.memref_slice %arg4[%multiple_of3A_162] : memref<320000xi32, #tpu.memory_space<hbm>> -> memref<80xi32, #tpu.memory_space<hbm>>
        tpu.wait_dma2 semaphore(%arg25 : memref<!tpu.dma_semaphore, #tpu.memory_space<semaphore_mem>>) src(%dma_wait3A_166 : memref<80xi32, #tpu.memory_space<hbm>>) dst(%arg13 : memref<80xi32, #tpu.memory_space<vmem>>)
        %dma_start3A_167 = arith.constant 0 : i32
        %dma_start3A_168 = arith.constant 0 : i32
        %dma_start3A_169 = tpu.memref_slice %arg2[%dma_start3A_167, %dma_start3A_168] : memref<10000x128xf32, #tpu.memory_space<hbm>> -> memref<10000x128xf32, #tpu.memory_space<hbm>>
        tpu.enqueue_indirect_dma source(%dma_start3A_169 : memref<10000x128xf32, #tpu.memory_space<hbm>>) target(%arg17 : memref<80x128xf32, #tpu.memory_space<vmem>>) offsets(%arg9 : memref<80xi32, #tpu.memory_space<vmem>>) semaphore(%arg21 : memref<!tpu.dma_semaphore, #tpu.memory_space<semaphore_mem>>)
      } else {
      }
      %mul3A_85 = arith.constant 4 : i32
      %mul3A_86 = arith.muli %scan3A_63, %mul3A_85 : i32
      %add3A_87 = arith.constant 1 : i32
      %add3A_88 = arith.addi %mul3A_86, %add3A_87 : i32
      %dma_wait3A_89 = arith.constant 0 : i32
      %dma_wait3A_90 = arith.constant 0 : i32
      %dma_wait3A_91 = tpu.memref_slice %arg2[%dma_wait3A_89, %dma_wait3A_90] : memref<10000x128xf32, #tpu.memory_space<hbm>> -> memref<10000x128xf32, #tpu.memory_space<hbm>>
      tpu.wait_indirect_dma semaphore(%arg20 : memref<!tpu.dma_semaphore, #tpu.memory_space<semaphore_mem>>) src(%dma_wait3A_91 : memref<10000x128xf32, #tpu.memory_space<hbm>>) dst(%arg16 : memref<80x128xf32, #tpu.memory_space<vmem>>)
      %add3A_92 = arith.constant 2 : i32
      %add3A_93 = arith.addi %add3A_88, %add3A_92 : i32
      %lt3A_94 = arith.constant 125 : i32
      %lt3A_95 = arith.cmpi slt, %add3A_93, %lt3A_94 : i32
      %convert_element_type3A_96 = arith.extui %lt3A_95 : i1 to i32
      %cond3A_97 = arith.constant 0 : i32
      %cond3A_98 = arith.cmpi ne, %convert_element_type3A_96, %cond3A_97 : i32
      scf.if %cond3A_98 {
        %sub3A = arith.constant 2 : i32
        %sub3A_157 = arith.subi %add3A_88, %sub3A : i32
        %ge3A = arith.constant 0 : i32
        %ge3A_158 = arith.cmpi sge, %sub3A_157, %ge3A : i32
        %convert_element_type3A_159 = arith.extui %ge3A_158 : i1 to i32
        %cond3A_160 = arith.constant 0 : i32
        %cond3A_161 = arith.cmpi ne, %convert_element_type3A_159, %cond3A_160 : i32
        scf.if %cond3A_161 {
          %dma_wait3A_172 = arith.constant 0 : i32
          %dma_wait3A_173 = arith.constant 0 : i32
          %dma_wait3A_174 = tpu.memref_slice %arg31[%dma_wait3A_172, %dma_wait3A_173] : memref<10240x128xf32, #tpu.memory_space<vmem_shared>> -> memref<10240x128xf32, #tpu.memory_space<vmem_shared>>
          tpu.wait_indirect_dma semaphore(%arg30 : memref<!tpu.dma_semaphore, #tpu.memory_space<semaphore_mem>>) src(%arg18 : memref<80x128xf32, #tpu.memory_space<vmem>>) dst(%dma_wait3A_174 : memref<10240x128xf32, #tpu.memory_space<vmem_shared>>)
        } else {
        }
        %add3A_162 = arith.constant 2 : i32
        %add3A_163 = arith.addi %add3A_88, %add3A_162 : i32
        %mul3A_164 = arith.constant 80 : i32
        %mul3A_165 = arith.muli %add3A_163, %mul3A_164 : i32
        %add3A_166 = arith.addi %mul3A_6, %mul3A_165 : i32
        %multiple_of3A_167 = tpu.assume_multiple %add3A_166, 8 : i32
        %dma_start3A_168 = tpu.memref_slice %arg3[%multiple_of3A_167] : memref<320000xi32, #tpu.memory_space<hbm>> -> memref<80xi32, #tpu.memory_space<hbm>>
        %dma_start3A_169 = tpu.memref_slice %arg3[%multiple_of3A_167] : memref<320000xi32, #tpu.memory_space<hbm>> -> memref<80xi32, #tpu.memory_space<hbm>>
        tpu.enqueue_dma source(%dma_start3A_169 : memref<80xi32, #tpu.memory_space<hbm>>) target(%arg10 : memref<80xi32, #tpu.memory_space<vmem>>) target_semaphore(%arg26 : memref<!tpu.dma_semaphore, #tpu.memory_space<semaphore_mem>>)
        %dma_start3A_170 = tpu.memref_slice %arg4[%multiple_of3A_167] : memref<320000xi32, #tpu.memory_space<hbm>> -> memref<80xi32, #tpu.memory_space<hbm>>
        %dma_start3A_171 = tpu.memref_slice %arg4[%multiple_of3A_167] : memref<320000xi32, #tpu.memory_space<hbm>> -> memref<80xi32, #tpu.memory_space<hbm>>
        tpu.enqueue_dma source(%dma_start3A_171 : memref<80xi32, #tpu.memory_space<hbm>>) target(%arg14 : memref<80xi32, #tpu.memory_space<vmem>>) target_semaphore(%arg26 : memref<!tpu.dma_semaphore, #tpu.memory_space<semaphore_mem>>)
      } else {
      }
      %dma_start3A_99 = arith.constant 0 : i32
      %dma_start3A_100 = arith.constant 0 : i32
      %dma_start3A_101 = tpu.memref_slice %arg31[%dma_start3A_99, %dma_start3A_100] : memref<10240x128xf32, #tpu.memory_space<vmem_shared>> -> memref<10240x128xf32, #tpu.memory_space<vmem_shared>>
      tpu.enqueue_indirect_dma source(%arg16 : memref<80x128xf32, #tpu.memory_space<vmem>>) target(%dma_start3A_101 : memref<10240x128xf32, #tpu.memory_space<vmem_shared>>) offsets(%arg12 : memref<80xi32, #tpu.memory_space<vmem>>) semaphore(%arg28 : memref<!tpu.dma_semaphore, #tpu.memory_space<semaphore_mem>>) {add = true}
      %add3A_102 = arith.constant 2 : i32
      %add3A_103 = arith.addi %add3A_88, %add3A_102 : i32
      %lt3A_104 = arith.constant 125 : i32
      %lt3A_105 = arith.cmpi slt, %add3A_103, %lt3A_104 : i32
      %convert_element_type3A_106 = arith.extui %lt3A_105 : i1 to i32
      %cond3A_107 = arith.constant 0 : i32
      %cond3A_108 = arith.cmpi ne, %convert_element_type3A_106, %cond3A_107 : i32
      scf.if %cond3A_108 {
        %add3A_157 = arith.constant 2 : i32
        %add3A_158 = arith.addi %add3A_88, %add3A_157 : i32
        %mul3A_159 = arith.constant 80 : i32
        %mul3A_160 = arith.muli %add3A_158, %mul3A_159 : i32
        %add3A_161 = arith.addi %mul3A_6, %mul3A_160 : i32
        %multiple_of3A_162 = tpu.assume_multiple %add3A_161, 8 : i32
        %dma_wait3A_163 = tpu.memref_slice %arg3[%multiple_of3A_162] : memref<320000xi32, #tpu.memory_space<hbm>> -> memref<80xi32, #tpu.memory_space<hbm>>
        %dma_wait3A_164 = tpu.memref_slice %arg3[%multiple_of3A_162] : memref<320000xi32, #tpu.memory_space<hbm>> -> memref<80xi32, #tpu.memory_space<hbm>>
        tpu.wait_dma2 semaphore(%arg26 : memref<!tpu.dma_semaphore, #tpu.memory_space<semaphore_mem>>) src(%dma_wait3A_164 : memref<80xi32, #tpu.memory_space<hbm>>) dst(%arg10 : memref<80xi32, #tpu.memory_space<vmem>>)
        %dma_wait3A_165 = tpu.memref_slice %arg4[%multiple_of3A_162] : memref<320000xi32, #tpu.memory_space<hbm>> -> memref<80xi32, #tpu.memory_space<hbm>>
        %dma_wait3A_166 = tpu.memref_slice %arg4[%multiple_of3A_162] : memref<320000xi32, #tpu.memory_space<hbm>> -> memref<80xi32, #tpu.memory_space<hbm>>
        tpu.wait_dma2 semaphore(%arg26 : memref<!tpu.dma_semaphore, #tpu.memory_space<semaphore_mem>>) src(%dma_wait3A_166 : memref<80xi32, #tpu.memory_space<hbm>>) dst(%arg14 : memref<80xi32, #tpu.memory_space<vmem>>)
        %dma_start3A_167 = arith.constant 0 : i32
        %dma_start3A_168 = arith.constant 0 : i32
        %dma_start3A_169 = tpu.memref_slice %arg2[%dma_start3A_167, %dma_start3A_168] : memref<10000x128xf32, #tpu.memory_space<hbm>> -> memref<10000x128xf32, #tpu.memory_space<hbm>>
        tpu.enqueue_indirect_dma source(%dma_start3A_169 : memref<10000x128xf32, #tpu.memory_space<hbm>>) target(%arg18 : memref<80x128xf32, #tpu.memory_space<vmem>>) offsets(%arg10 : memref<80xi32, #tpu.memory_space<vmem>>) semaphore(%arg22 : memref<!tpu.dma_semaphore, #tpu.memory_space<semaphore_mem>>)
      } else {
      }
      %mul3A_109 = arith.constant 4 : i32
      %mul3A_110 = arith.muli %scan3A_63, %mul3A_109 : i32
      %add3A_111 = arith.constant 2 : i32
      %add3A_112 = arith.addi %mul3A_110, %add3A_111 : i32
      %dma_wait3A_113 = arith.constant 0 : i32
      %dma_wait3A_114 = arith.constant 0 : i32
      %dma_wait3A_115 = tpu.memref_slice %arg2[%dma_wait3A_113, %dma_wait3A_114] : memref<10000x128xf32, #tpu.memory_space<hbm>> -> memref<10000x128xf32, #tpu.memory_space<hbm>>
      tpu.wait_indirect_dma semaphore(%arg21 : memref<!tpu.dma_semaphore, #tpu.memory_space<semaphore_mem>>) src(%dma_wait3A_115 : memref<10000x128xf32, #tpu.memory_space<hbm>>) dst(%arg17 : memref<80x128xf32, #tpu.memory_space<vmem>>)
      %add3A_116 = arith.constant 2 : i32
      %add3A_117 = arith.addi %add3A_112, %add3A_116 : i32
      %lt3A_118 = arith.constant 125 : i32
      %lt3A_119 = arith.cmpi slt, %add3A_117, %lt3A_118 : i32
      %convert_element_type3A_120 = arith.extui %lt3A_119 : i1 to i32
      %cond3A_121 = arith.constant 0 : i32
      %cond3A_122 = arith.cmpi ne, %convert_element_type3A_120, %cond3A_121 : i32
      scf.if %cond3A_122 {
        %sub3A = arith.constant 2 : i32
        %sub3A_157 = arith.subi %add3A_112, %sub3A : i32
        %ge3A = arith.constant 0 : i32
        %ge3A_158 = arith.cmpi sge, %sub3A_157, %ge3A : i32
        %convert_element_type3A_159 = arith.extui %ge3A_158 : i1 to i32
        %cond3A_160 = arith.constant 0 : i32
        %cond3A_161 = arith.cmpi ne, %convert_element_type3A_159, %cond3A_160 : i32
        scf.if %cond3A_161 {
          %dma_wait3A_172 = arith.constant 0 : i32
          %dma_wait3A_173 = arith.constant 0 : i32
          %dma_wait3A_174 = tpu.memref_slice %arg31[%dma_wait3A_172, %dma_wait3A_173] : memref<10240x128xf32, #tpu.memory_space<vmem_shared>> -> memref<10240x128xf32, #tpu.memory_space<vmem_shared>>
          tpu.wait_indirect_dma semaphore(%arg27 : memref<!tpu.dma_semaphore, #tpu.memory_space<semaphore_mem>>) src(%arg15 : memref<80x128xf32, #tpu.memory_space<vmem>>) dst(%dma_wait3A_174 : memref<10240x128xf32, #tpu.memory_space<vmem_shared>>)
        } else {
        }
        %add3A_162 = arith.constant 2 : i32
        %add3A_163 = arith.addi %add3A_112, %add3A_162 : i32
        %mul3A_164 = arith.constant 80 : i32
        %mul3A_165 = arith.muli %add3A_163, %mul3A_164 : i32
        %add3A_166 = arith.addi %mul3A_6, %mul3A_165 : i32
        %multiple_of3A_167 = tpu.assume_multiple %add3A_166, 8 : i32
        %dma_start3A_168 = tpu.memref_slice %arg3[%multiple_of3A_167] : memref<320000xi32, #tpu.memory_space<hbm>> -> memref<80xi32, #tpu.memory_space<hbm>>
        %dma_start3A_169 = tpu.memref_slice %arg3[%multiple_of3A_167] : memref<320000xi32, #tpu.memory_space<hbm>> -> memref<80xi32, #tpu.memory_space<hbm>>
        tpu.enqueue_dma source(%dma_start3A_169 : memref<80xi32, #tpu.memory_space<hbm>>) target(%arg7 : memref<80xi32, #tpu.memory_space<vmem>>) target_semaphore(%arg23 : memref<!tpu.dma_semaphore, #tpu.memory_space<semaphore_mem>>)
        %dma_start3A_170 = tpu.memref_slice %arg4[%multiple_of3A_167] : memref<320000xi32, #tpu.memory_space<hbm>> -> memref<80xi32, #tpu.memory_space<hbm>>
        %dma_start3A_171 = tpu.memref_slice %arg4[%multiple_of3A_167] : memref<320000xi32, #tpu.memory_space<hbm>> -> memref<80xi32, #tpu.memory_space<hbm>>
        tpu.enqueue_dma source(%dma_start3A_171 : memref<80xi32, #tpu.memory_space<hbm>>) target(%arg11 : memref<80xi32, #tpu.memory_space<vmem>>) target_semaphore(%arg23 : memref<!tpu.dma_semaphore, #tpu.memory_space<semaphore_mem>>)
      } else {
      }
      %dma_start3A_123 = arith.constant 0 : i32
      %dma_start3A_124 = arith.constant 0 : i32
      %dma_start3A_125 = tpu.memref_slice %arg31[%dma_start3A_123, %dma_start3A_124] : memref<10240x128xf32, #tpu.memory_space<vmem_shared>> -> memref<10240x128xf32, #tpu.memory_space<vmem_shared>>
      tpu.enqueue_indirect_dma source(%arg17 : memref<80x128xf32, #tpu.memory_space<vmem>>) target(%dma_start3A_125 : memref<10240x128xf32, #tpu.memory_space<vmem_shared>>) offsets(%arg13 : memref<80xi32, #tpu.memory_space<vmem>>) semaphore(%arg29 : memref<!tpu.dma_semaphore, #tpu.memory_space<semaphore_mem>>) {add = true}
      %add3A_126 = arith.constant 2 : i32
      %add3A_127 = arith.addi %add3A_112, %add3A_126 : i32
      %lt3A_128 = arith.constant 125 : i32
      %lt3A_129 = arith.cmpi slt, %add3A_127, %lt3A_128 : i32
      %convert_element_type3A_130 = arith.extui %lt3A_129 : i1 to i32
      %cond3A_131 = arith.constant 0 : i32
      %cond3A_132 = arith.cmpi ne, %convert_element_type3A_130, %cond3A_131 : i32
      scf.if %cond3A_132 {
        %add3A_157 = arith.constant 2 : i32
        %add3A_158 = arith.addi %add3A_112, %add3A_157 : i32
        %mul3A_159 = arith.constant 80 : i32
        %mul3A_160 = arith.muli %add3A_158, %mul3A_159 : i32
        %add3A_161 = arith.addi %mul3A_6, %mul3A_160 : i32
        %multiple_of3A_162 = tpu.assume_multiple %add3A_161, 8 : i32
        %dma_wait3A_163 = tpu.memref_slice %arg3[%multiple_of3A_162] : memref<320000xi32, #tpu.memory_space<hbm>> -> memref<80xi32, #tpu.memory_space<hbm>>
        %dma_wait3A_164 = tpu.memref_slice %arg3[%multiple_of3A_162] : memref<320000xi32, #tpu.memory_space<hbm>> -> memref<80xi32, #tpu.memory_space<hbm>>
        tpu.wait_dma2 semaphore(%arg23 : memref<!tpu.dma_semaphore, #tpu.memory_space<semaphore_mem>>) src(%dma_wait3A_164 : memref<80xi32, #tpu.memory_space<hbm>>) dst(%arg7 : memref<80xi32, #tpu.memory_space<vmem>>)
        %dma_wait3A_165 = tpu.memref_slice %arg4[%multiple_of3A_162] : memref<320000xi32, #tpu.memory_space<hbm>> -> memref<80xi32, #tpu.memory_space<hbm>>
        %dma_wait3A_166 = tpu.memref_slice %arg4[%multiple_of3A_162] : memref<320000xi32, #tpu.memory_space<hbm>> -> memref<80xi32, #tpu.memory_space<hbm>>
        tpu.wait_dma2 semaphore(%arg23 : memref<!tpu.dma_semaphore, #tpu.memory_space<semaphore_mem>>) src(%dma_wait3A_166 : memref<80xi32, #tpu.memory_space<hbm>>) dst(%arg11 : memref<80xi32, #tpu.memory_space<vmem>>)
        %dma_start3A_167 = arith.constant 0 : i32
        %dma_start3A_168 = arith.constant 0 : i32
        %dma_start3A_169 = tpu.memref_slice %arg2[%dma_start3A_167, %dma_start3A_168] : memref<10000x128xf32, #tpu.memory_space<hbm>> -> memref<10000x128xf32, #tpu.memory_space<hbm>>
        tpu.enqueue_indirect_dma source(%dma_start3A_169 : memref<10000x128xf32, #tpu.memory_space<hbm>>) target(%arg15 : memref<80x128xf32, #tpu.memory_space<vmem>>) offsets(%arg7 : memref<80xi32, #tpu.memory_space<vmem>>) semaphore(%arg19 : memref<!tpu.dma_semaphore, #tpu.memory_space<semaphore_mem>>)
      } else {
      }
      %mul3A_133 = arith.constant 4 : i32
      %mul3A_134 = arith.muli %scan3A_63, %mul3A_133 : i32
      %add3A_135 = arith.constant 3 : i32
      %add3A_136 = arith.addi %mul3A_134, %add3A_135 : i32
      %dma_wait3A_137 = arith.constant 0 : i32
      %dma_wait3A_138 = arith.constant 0 : i32
      %dma_wait3A_139 = tpu.memref_slice %arg2[%dma_wait3A_137, %dma_wait3A_138] : memref<10000x128xf32, #tpu.memory_space<hbm>> -> memref<10000x128xf32, #tpu.memory_space<hbm>>
      tpu.wait_indirect_dma semaphore(%arg22 : memref<!tpu.dma_semaphore, #tpu.memory_space<semaphore_mem>>) src(%dma_wait3A_139 : memref<10000x128xf32, #tpu.memory_space<hbm>>) dst(%arg18 : memref<80x128xf32, #tpu.memory_space<vmem>>)
      %add3A_140 = arith.constant 2 : i32
      %add3A_141 = arith.addi %add3A_136, %add3A_140 : i32
      %lt3A_142 = arith.constant 125 : i32
      %lt3A_143 = arith.cmpi slt, %add3A_141, %lt3A_142 : i32
      %convert_element_type3A_144 = arith.extui %lt3A_143 : i1 to i32
      %cond3A_145 = arith.constant 0 : i32
      %cond3A_146 = arith.cmpi ne, %convert_element_type3A_144, %cond3A_145 : i32
      scf.if %cond3A_146 {
        %sub3A = arith.constant 2 : i32
        %sub3A_157 = arith.subi %add3A_136, %sub3A : i32
        %ge3A = arith.constant 0 : i32
        %ge3A_158 = arith.cmpi sge, %sub3A_157, %ge3A : i32
        %convert_element_type3A_159 = arith.extui %ge3A_158 : i1 to i32
        %cond3A_160 = arith.constant 0 : i32
        %cond3A_161 = arith.cmpi ne, %convert_element_type3A_159, %cond3A_160 : i32
        scf.if %cond3A_161 {
          %dma_wait3A_172 = arith.constant 0 : i32
          %dma_wait3A_173 = arith.constant 0 : i32
          %dma_wait3A_174 = tpu.memref_slice %arg31[%dma_wait3A_172, %dma_wait3A_173] : memref<10240x128xf32, #tpu.memory_space<vmem_shared>> -> memref<10240x128xf32, #tpu.memory_space<vmem_shared>>
          tpu.wait_indirect_dma semaphore(%arg28 : memref<!tpu.dma_semaphore, #tpu.memory_space<semaphore_mem>>) src(%arg16 : memref<80x128xf32, #tpu.memory_space<vmem>>) dst(%dma_wait3A_174 : memref<10240x128xf32, #tpu.memory_space<vmem_shared>>)
        } else {
        }
        %add3A_162 = arith.constant 2 : i32
        %add3A_163 = arith.addi %add3A_136, %add3A_162 : i32
        %mul3A_164 = arith.constant 80 : i32
        %mul3A_165 = arith.muli %add3A_163, %mul3A_164 : i32
        %add3A_166 = arith.addi %mul3A_6, %mul3A_165 : i32
        %multiple_of3A_167 = tpu.assume_multiple %add3A_166, 8 : i32
        %dma_start3A_168 = tpu.memref_slice %arg3[%multiple_of3A_167] : memref<320000xi32, #tpu.memory_space<hbm>> -> memref<80xi32, #tpu.memory_space<hbm>>
        %dma_start3A_169 = tpu.memref_slice %arg3[%multiple_of3A_167] : memref<320000xi32, #tpu.memory_space<hbm>> -> memref<80xi32, #tpu.memory_space<hbm>>
        tpu.enqueue_dma source(%dma_start3A_169 : memref<80xi32, #tpu.memory_space<hbm>>) target(%arg8 : memref<80xi32, #tpu.memory_space<vmem>>) target_semaphore(%arg24 : memref<!tpu.dma_semaphore, #tpu.memory_space<semaphore_mem>>)
        %dma_start3A_170 = tpu.memref_slice %arg4[%multiple_of3A_167] : memref<320000xi32, #tpu.memory_space<hbm>> -> memref<80xi32, #tpu.memory_space<hbm>>
        %dma_start3A_171 = tpu.memref_slice %arg4[%multiple_of3A_167] : memref<320000xi32, #tpu.memory_space<hbm>> -> memref<80xi32, #tpu.memory_space<hbm>>
        tpu.enqueue_dma source(%dma_start3A_171 : memref<80xi32, #tpu.memory_space<hbm>>) target(%arg12 : memref<80xi32, #tpu.memory_space<vmem>>) target_semaphore(%arg24 : memref<!tpu.dma_semaphore, #tpu.memory_space<semaphore_mem>>)
      } else {
      }
      %dma_start3A_147 = arith.constant 0 : i32
      %dma_start3A_148 = arith.constant 0 : i32
      %dma_start3A_149 = tpu.memref_slice %arg31[%dma_start3A_147, %dma_start3A_148] : memref<10240x128xf32, #tpu.memory_space<vmem_shared>> -> memref<10240x128xf32, #tpu.memory_space<vmem_shared>>
      tpu.enqueue_indirect_dma source(%arg18 : memref<80x128xf32, #tpu.memory_space<vmem>>) target(%dma_start3A_149 : memref<10240x128xf32, #tpu.memory_space<vmem_shared>>) offsets(%arg14 : memref<80xi32, #tpu.memory_space<vmem>>) semaphore(%arg30 : memref<!tpu.dma_semaphore, #tpu.memory_space<semaphore_mem>>) {add = true}
      %add3A_150 = arith.constant 2 : i32
      %add3A_151 = arith.addi %add3A_136, %add3A_150 : i32
      %lt3A_152 = arith.constant 125 : i32
      %lt3A_153 = arith.cmpi slt, %add3A_151, %lt3A_152 : i32
      %convert_element_type3A_154 = arith.extui %lt3A_153 : i1 to i32
      %cond3A_155 = arith.constant 0 : i32
      %cond3A_156 = arith.cmpi ne, %convert_element_type3A_154, %cond3A_155 : i32
      scf.if %cond3A_156 {
        %add3A_157 = arith.constant 2 : i32
        %add3A_158 = arith.addi %add3A_136, %add3A_157 : i32
        %mul3A_159 = arith.constant 80 : i32
        %mul3A_160 = arith.muli %add3A_158, %mul3A_159 : i32
        %add3A_161 = arith.addi %mul3A_6, %mul3A_160 : i32
        %multiple_of3A_162 = tpu.assume_multiple %add3A_161, 8 : i32
        %dma_wait3A_163 = tpu.memref_slice %arg3[%multiple_of3A_162] : memref<320000xi32, #tpu.memory_space<hbm>> -> memref<80xi32, #tpu.memory_space<hbm>>
        %dma_wait3A_164 = tpu.memref_slice %arg3[%multiple_of3A_162] : memref<320000xi32, #tpu.memory_space<hbm>> -> memref<80xi32, #tpu.memory_space<hbm>>
        tpu.wait_dma2 semaphore(%arg24 : memref<!tpu.dma_semaphore, #tpu.memory_space<semaphore_mem>>) src(%dma_wait3A_164 : memref<80xi32, #tpu.memory_space<hbm>>) dst(%arg8 : memref<80xi32, #tpu.memory_space<vmem>>)
        %dma_wait3A_165 = tpu.memref_slice %arg4[%multiple_of3A_162] : memref<320000xi32, #tpu.memory_space<hbm>> -> memref<80xi32, #tpu.memory_space<hbm>>
        %dma_wait3A_166 = tpu.memref_slice %arg4[%multiple_of3A_162] : memref<320000xi32, #tpu.memory_space<hbm>> -> memref<80xi32, #tpu.memory_space<hbm>>
        tpu.wait_dma2 semaphore(%arg24 : memref<!tpu.dma_semaphore, #tpu.memory_space<semaphore_mem>>) src(%dma_wait3A_166 : memref<80xi32, #tpu.memory_space<hbm>>) dst(%arg12 : memref<80xi32, #tpu.memory_space<vmem>>)
        %dma_start3A_167 = arith.constant 0 : i32
        %dma_start3A_168 = arith.constant 0 : i32
        %dma_start3A_169 = tpu.memref_slice %arg2[%dma_start3A_167, %dma_start3A_168] : memref<10000x128xf32, #tpu.memory_space<hbm>> -> memref<10000x128xf32, #tpu.memory_space<hbm>>
        tpu.enqueue_indirect_dma source(%dma_start3A_169 : memref<10000x128xf32, #tpu.memory_space<hbm>>) target(%arg16 : memref<80x128xf32, #tpu.memory_space<vmem>>) offsets(%arg8 : memref<80xi32, #tpu.memory_space<vmem>>) semaphore(%arg20 : memref<!tpu.dma_semaphore, #tpu.memory_space<semaphore_mem>>)
      } else {
      }
    }
    %scan3A_36 = arith.constant 31 : i32
    %dma_wait3A_37 = arith.constant 0 : i32
    %dma_wait3A_38 = arith.constant 0 : i32
    %dma_wait3A_39 = tpu.memref_slice %arg2[%dma_wait3A_37, %dma_wait3A_38] : memref<10000x128xf32, #tpu.memory_space<hbm>> -> memref<10000x128xf32, #tpu.memory_space<hbm>>
    tpu.wait_indirect_dma semaphore(%arg19 : memref<!tpu.dma_semaphore, #tpu.memory_space<semaphore_mem>>) src(%dma_wait3A_39 : memref<10000x128xf32, #tpu.memory_space<hbm>>) dst(%arg15 : memref<80x128xf32, #tpu.memory_space<vmem>>)
    %dma_start3A_40 = arith.constant 0 : i32
    %dma_start3A_41 = arith.constant 0 : i32
    %dma_start3A_42 = tpu.memref_slice %arg31[%dma_start3A_40, %dma_start3A_41] : memref<10240x128xf32, #tpu.memory_space<vmem_shared>> -> memref<10240x128xf32, #tpu.memory_space<vmem_shared>>
    tpu.enqueue_indirect_dma source(%arg15 : memref<80x128xf32, #tpu.memory_space<vmem>>) target(%dma_start3A_42 : memref<10240x128xf32, #tpu.memory_space<vmem_shared>>) offsets(%arg11 : memref<80xi32, #tpu.memory_space<vmem>>) semaphore(%arg27 : memref<!tpu.dma_semaphore, #tpu.memory_space<semaphore_mem>>) {add = true}
    %dma_wait3A_43 = arith.constant 0 : i32
    %dma_wait3A_44 = arith.constant 0 : i32
    %dma_wait3A_45 = tpu.memref_slice %arg31[%dma_wait3A_43, %dma_wait3A_44] : memref<10240x128xf32, #tpu.memory_space<vmem_shared>> -> memref<10240x128xf32, #tpu.memory_space<vmem_shared>>
    tpu.wait_indirect_dma semaphore(%arg28 : memref<!tpu.dma_semaphore, #tpu.memory_space<semaphore_mem>>) src(%arg16 : memref<80x128xf32, #tpu.memory_space<vmem>>) dst(%dma_wait3A_45 : memref<10240x128xf32, #tpu.memory_space<vmem_shared>>)
    %dma_wait3A_46 = arith.constant 0 : i32
    %dma_wait3A_47 = arith.constant 0 : i32
    %dma_wait3A_48 = tpu.memref_slice %arg31[%dma_wait3A_46, %dma_wait3A_47] : memref<10240x128xf32, #tpu.memory_space<vmem_shared>> -> memref<10240x128xf32, #tpu.memory_space<vmem_shared>>
    tpu.wait_indirect_dma semaphore(%arg29 : memref<!tpu.dma_semaphore, #tpu.memory_space<semaphore_mem>>) src(%arg17 : memref<80x128xf32, #tpu.memory_space<vmem>>) dst(%dma_wait3A_48 : memref<10240x128xf32, #tpu.memory_space<vmem_shared>>)
    %dma_wait3A_49 = arith.constant 0 : i32
    %dma_wait3A_50 = arith.constant 0 : i32
    %dma_wait3A_51 = tpu.memref_slice %arg31[%dma_wait3A_49, %dma_wait3A_50] : memref<10240x128xf32, #tpu.memory_space<vmem_shared>> -> memref<10240x128xf32, #tpu.memory_space<vmem_shared>>
    tpu.wait_indirect_dma semaphore(%arg30 : memref<!tpu.dma_semaphore, #tpu.memory_space<semaphore_mem>>) src(%arg18 : memref<80x128xf32, #tpu.memory_space<vmem>>) dst(%dma_wait3A_51 : memref<10240x128xf32, #tpu.memory_space<vmem_shared>>)
    %dma_wait3A_52 = arith.constant 0 : i32
    %dma_wait3A_53 = arith.constant 0 : i32
    %dma_wait3A_54 = tpu.memref_slice %arg31[%dma_wait3A_52, %dma_wait3A_53] : memref<10240x128xf32, #tpu.memory_space<vmem_shared>> -> memref<10240x128xf32, #tpu.memory_space<vmem_shared>>
    tpu.wait_indirect_dma semaphore(%arg27 : memref<!tpu.dma_semaphore, #tpu.memory_space<semaphore_mem>>) src(%arg15 : memref<80x128xf32, #tpu.memory_space<vmem>>) dst(%dma_wait3A_54 : memref<10240x128xf32, #tpu.memory_space<vmem_shared>>)
    %barrier3A_55 = arith.constant 0 : index
    tpu.barrier barrier_id(%barrier3A_55)
    %mul3A_56 = arith.constant 640 : i32
    %mul3A_57 = arith.muli %arg1, %mul3A_56 : i32
    %mul3A_58 = arith.constant 10240 : i32
    %mul3A_59 = arith.muli %arg0, %mul3A_58 : i32
    %mul3A_60 = arith.constant 640 : i32
    %mul3A_61 = arith.muli %arg1, %mul3A_60 : i32
    %add3A_62 = arith.addi %mul3A_59, %mul3A_61 : i32
    "tpu.region"() ({
      %run_scoped3A = tpu.sem_alloc : memref<!tpu.dma_semaphore, #tpu.memory_space<semaphore_mem>>
      %dma_start3A_63 = arith.constant 0 : i32
      %dma_start3A_64 = tpu.memref_slice %arg6[%add3A_62, %dma_start3A_63] : memref<20480x128xf32, #tpu.memory_space<hbm>> -> memref<640x128xf32, #tpu.memory_space<hbm>>
      %dma_start3A_65 = arith.constant 0 : i32
      %dma_start3A_66 = tpu.memref_slice %arg31[%mul3A_57, %dma_start3A_65] : memref<10240x128xf32, #tpu.memory_space<vmem_shared>> -> memref<640x128xf32, #tpu.memory_space<vmem_shared>>
      tpu.enqueue_dma source(%dma_start3A_66 : memref<640x128xf32, #tpu.memory_space<vmem_shared>>) target(%dma_start3A_64 : memref<640x128xf32, #tpu.memory_space<hbm>>) target_semaphore(%run_scoped3A : memref<!tpu.dma_semaphore, #tpu.memory_space<semaphore_mem>>)
      %dma_wait3A_67 = arith.constant 0 : i32
      %dma_wait3A_68 = tpu.memref_slice %arg6[%add3A_62, %dma_wait3A_67] : memref<20480x128xf32, #tpu.memory_space<hbm>> -> memref<640x128xf32, #tpu.memory_space<hbm>>
      %dma_wait3A_69 = arith.constant 0 : i32
      %dma_wait3A_70 = tpu.memref_slice %arg31[%mul3A_57, %dma_wait3A_69] : memref<10240x128xf32, #tpu.memory_space<vmem_shared>> -> memref<640x128xf32, #tpu.memory_space<vmem_shared>>
      tpu.wait_dma2 semaphore(%run_scoped3A : memref<!tpu.dma_semaphore, #tpu.memory_space<semaphore_mem>>) src(%dma_wait3A_70 : memref<640x128xf32, #tpu.memory_space<vmem_shared>>) dst(%dma_wait3A_68 : memref<640x128xf32, #tpu.memory_space<hbm>>)
      tpu.yield
    }) : () -> ()
    return
  }
}

#map = affine_map<(d0, d1) -> (0, 0)>
#map1 = affine_map<(d0, d1) -> (0)>
module attributes {stable_mosaic.version = 14 : i64} {
  func.func @edge_kernel(%arg0: i32, %arg1: i32, %arg2: memref<10000x128xf32, #tpu.memory_space<hbm>>, %arg3: memref<320000xi32, #tpu.memory_space<hbm>>, %arg4: memref<320000xi32, #tpu.memory_space<hbm>>, %arg5: memref<10240x128xf32, #tpu.memory_space<hbm>>, %arg6: memref<20480x128xf32, #tpu.memory_space<hbm>>, %arg7: memref<80xi32, #tpu.memory_space<vmem>>, %arg8: memref<80xi32, #tpu.memory_space<vmem>>, %arg9: memref<80xi32, #tpu.memory_space<vmem>>, %arg10: memref<80xi32, #tpu.memory_space<vmem>>, %arg11: memref<80xi32, #tpu.memory_space<vmem>>, %arg12: memref<80xi32, #tpu.memory_space<vmem>>, %arg13: memref<80xi32, #tpu.memory_space<vmem>>, %arg14: memref<80xi32, #tpu.memory_space<vmem>>, %arg15: memref<80x128xf32, #tpu.memory_space<vmem>>, %arg16: memref<80x128xf32, #tpu.memory_space<vmem>>, %arg17: memref<80x128xf32, #tpu.memory_space<vmem>>, %arg18: memref<80x128xf32, #tpu.memory_space<vmem>>, %arg19: memref<!tpu.dma_semaphore, #tpu.memory_space<semaphore_mem>>, %arg20: memref<!tpu.dma_semaphore, #tpu.memory_space<semaphore_mem>>, %arg21: memref<!tpu.dma_semaphore, #tpu.memory_space<semaphore_mem>>, %arg22: memref<!tpu.dma_semaphore, #tpu.memory_space<semaphore_mem>>, %arg23: memref<!tpu.dma_semaphore, #tpu.memory_space<semaphore_mem>>, %arg24: memref<!tpu.dma_semaphore, #tpu.memory_space<semaphore_mem>>, %arg25: memref<!tpu.dma_semaphore, #tpu.memory_space<semaphore_mem>>, %arg26: memref<!tpu.dma_semaphore, #tpu.memory_space<semaphore_mem>>, %arg27: memref<!tpu.dma_semaphore, #tpu.memory_space<semaphore_mem>>, %arg28: memref<!tpu.dma_semaphore, #tpu.memory_space<semaphore_mem>>, %arg29: memref<!tpu.dma_semaphore, #tpu.memory_space<semaphore_mem>>, %arg30: memref<!tpu.dma_semaphore, #tpu.memory_space<semaphore_mem>>, %arg31: memref<10240x128xf32, #tpu.memory_space<vmem_shared>>) attributes {dimension_semantics = [#tpu.dimension_semantics<core_parallel>, #tpu.dimension_semantics<subcore_parallel>], iteration_bounds = array<i64: 2, 16>, scalar_prefetch = 0 : i64, scratch_operands = 25 : i64, tpu.core_type = #tpu.core_type<sc_vector_subcore>, window_params = [{transform_indices = #map}, {transform_indices = #map1}, {transform_indices = #map1}, {transform_indices = #map}, {transform_indices = #map}]} {
    %mul3A = arith.constant 16 : i32
    %mul3A_0 = arith.muli %arg0, %mul3A : i32
    %add3A = arith.addi %mul3A_0, %arg1 : i32
    %mul3A_1 = arith.constant 640 : i32
    %mul3A_2 = arith.muli %arg1, %mul3A_1 : i32
    %mul3A_3 = arith.constant 640 : i32
    %mul3A_4 = arith.muli %arg1, %mul3A_3 : i32
    "tpu.region"() ({
      %run_scoped3A = tpu.sem_alloc : memref<!tpu.dma_semaphore, #tpu.memory_space<semaphore_mem>>
      %dma_start3A_63 = arith.constant 0 : i32
      %dma_start3A_64 = tpu.memref_slice %arg31[%mul3A_4, %dma_start3A_63] : memref<10240x128xf32, #tpu.memory_space<vmem_shared>> -> memref<640x128xf32, #tpu.memory_space<vmem_shared>>
      %dma_start3A_65 = arith.constant 0 : i32
      %dma_start3A_66 = tpu.memref_slice %arg5[%mul3A_2, %dma_start3A_65] : memref<10240x128xf32, #tpu.memory_space<hbm>> -> memref<640x128xf32, #tpu.memory_space<hbm>>
      tpu.enqueue_dma source(%dma_start3A_66 : memref<640x128xf32, #tpu.memory_space<hbm>>) target(%dma_start3A_64 : memref<640x128xf32, #tpu.memory_space<vmem_shared>>) target_semaphore(%run_scoped3A : memref<!tpu.dma_semaphore, #tpu.memory_space<semaphore_mem>>)
      %dma_wait3A_67 = arith.constant 0 : i32
      %dma_wait3A_68 = tpu.memref_slice %arg31[%mul3A_4, %dma_wait3A_67] : memref<10240x128xf32, #tpu.memory_space<vmem_shared>> -> memref<640x128xf32, #tpu.memory_space<vmem_shared>>
      %dma_wait3A_69 = arith.constant 0 : i32
      %dma_wait3A_70 = tpu.memref_slice %arg5[%mul3A_2, %dma_wait3A_69] : memref<10240x128xf32, #tpu.memory_space<hbm>> -> memref<640x128xf32, #tpu.memory_space<hbm>>
      tpu.wait_dma2 semaphore(%run_scoped3A : memref<!tpu.dma_semaphore, #tpu.memory_space<semaphore_mem>>) src(%dma_wait3A_70 : memref<640x128xf32, #tpu.memory_space<hbm>>) dst(%dma_wait3A_68 : memref<640x128xf32, #tpu.memory_space<vmem_shared>>)
      tpu.yield
    }) : () -> ()
    %barrier3A = arith.constant 0 : index
    tpu.barrier barrier_id(%barrier3A)
    %mul3A_5 = arith.constant 10000 : i32
    %mul3A_6 = arith.muli %add3A, %mul3A_5 : i32
    %add3A_7 = arith.constant 0 : i32
    %add3A_8 = arith.addi %mul3A_6, %add3A_7 : i32
    %multiple_of3A = tpu.assume_multiple %add3A_8, 8 : i32
    %dma_start3A = tpu.memref_slice %arg3[%multiple_of3A] : memref<320000xi32, #tpu.memory_space<hbm>> -> memref<80xi32, #tpu.memory_space<hbm>>
    %dma_start3A_9 = tpu.memref_slice %arg3[%multiple_of3A] : memref<320000xi32, #tpu.memory_space<hbm>> -> memref<80xi32, #tpu.memory_space<hbm>>
    tpu.enqueue_dma source(%dma_start3A_9 : memref<80xi32, #tpu.memory_space<hbm>>) target(%arg7 : memref<80xi32, #tpu.memory_space<vmem>>) target_semaphore(%arg23 : memref<!tpu.dma_semaphore, #tpu.memory_space<semaphore_mem>>)
    %dma_wait3A = tpu.memref_slice %arg3[%multiple_of3A] : memref<320000xi32, #tpu.memory_space<hbm>> -> memref<80xi32, #tpu.memory_space<hbm>>
    %dma_wait3A_10 = tpu.memref_slice %arg3[%multiple_of3A] : memref<320000xi32, #tpu.memory_space<hbm>> -> memref<80xi32, #tpu.memory_space<hbm>>
    tpu.wait_dma2 semaphore(%arg23 : memref<!tpu.dma_semaphore, #tpu.memory_space<semaphore_mem>>) src(%dma_wait3A_10 : memref<80xi32, #tpu.memory_space<hbm>>) dst(%arg7 : memref<80xi32, #tpu.memory_space<vmem>>)
    %dma_start3A_11 = tpu.memref_slice %arg4[%multiple_of3A] : memref<320000xi32, #tpu.memory_space<hbm>> -> memref<80xi32, #tpu.memory_space<hbm>>
    %dma_start3A_12 = tpu.memref_slice %arg4[%multiple_of3A] : memref<320000xi32, #tpu.memory_space<hbm>> -> memref<80xi32, #tpu.memory_space<hbm>>
    tpu.enqueue_dma source(%dma_start3A_12 : memref<80xi32, #tpu.memory_space<hbm>>) target(%arg11 : memref<80xi32, #tpu.memory_space<vmem>>) target_semaphore(%arg23 : memref<!tpu.dma_semaphore, #tpu.memory_space<semaphore_mem>>)
    %dma_wait3A_13 = tpu.memref_slice %arg4[%multiple_of3A] : memref<320000xi32, #tpu.memory_space<hbm>> -> memref<80xi32, #tpu.memory_space<hbm>>
    %dma_wait3A_14 = tpu.memref_slice %arg4[%multiple_of3A] : memref<320000xi32, #tpu.memory_space<hbm>> -> memref<80xi32, #tpu.memory_space<hbm>>
    tpu.wait_dma2 semaphore(%arg23 : memref<!tpu.dma_semaphore, #tpu.memory_space<semaphore_mem>>) src(%dma_wait3A_14 : memref<80xi32, #tpu.memory_space<hbm>>) dst(%arg11 : memref<80xi32, #tpu.memory_space<vmem>>)
    %dma_start3A_15 = arith.constant 0 : i32
    %dma_start3A_16 = arith.constant 0 : i32
    %dma_start3A_17 = tpu.memref_slice %arg2[%dma_start3A_15, %dma_start3A_16] : memref<10000x128xf32, #tpu.memory_space<hbm>> -> memref<10000x128xf32, #tpu.memory_space<hbm>>
    tpu.enqueue_indirect_dma source(%dma_start3A_17 : memref<10000x128xf32, #tpu.memory_space<hbm>>) target(%arg15 : memref<80x128xf32, #tpu.memory_space<vmem>>) offsets(%arg7 : memref<80xi32, #tpu.memory_space<vmem>>) semaphore(%arg19 : memref<!tpu.dma_semaphore, #tpu.memory_space<semaphore_mem>>)
    %add3A_18 = arith.constant 80 : i32
    %add3A_19 = arith.addi %mul3A_6, %add3A_18 : i32
    %multiple_of3A_20 = tpu.assume_multiple %add3A_19, 8 : i32
    %dma_start3A_21 = tpu.memref_slice %arg3[%multiple_of3A_20] : memref<320000xi32, #tpu.memory_space<hbm>> -> memref<80xi32, #tpu.memory_space<hbm>>
    %dma_start3A_22 = tpu.memref_slice %arg3[%multiple_of3A_20] : memref<320000xi32, #tpu.memory_space<hbm>> -> memref<80xi32, #tpu.memory_space<hbm>>
    tpu.enqueue_dma source(%dma_start3A_22 : memref<80xi32, #tpu.memory_space<hbm>>) target(%arg8 : memref<80xi32, #tpu.memory_space<vmem>>) target_semaphore(%arg24 : memref<!tpu.dma_semaphore, #tpu.memory_space<semaphore_mem>>)
    %dma_wait3A_23 = tpu.memref_slice %arg3[%multiple_of3A_20] : memref<320000xi32, #tpu.memory_space<hbm>> -> memref<80xi32, #tpu.memory_space<hbm>>
    %dma_wait3A_24 = tpu.memref_slice %arg3[%multiple_of3A_20] : memref<320000xi32, #tpu.memory_space<hbm>> -> memref<80xi32, #tpu.memory_space<hbm>>
    tpu.wait_dma2 semaphore(%arg24 : memref<!tpu.dma_semaphore, #tpu.memory_space<semaphore_mem>>) src(%dma_wait3A_24 : memref<80xi32, #tpu.memory_space<hbm>>) dst(%arg8 : memref<80xi32, #tpu.memory_space<vmem>>)
    %dma_start3A_25 = tpu.memref_slice %arg4[%multiple_of3A_20] : memref<320000xi32, #tpu.memory_space<hbm>> -> memref<80xi32, #tpu.memory_space<hbm>>
    %dma_start3A_26 = tpu.memref_slice %arg4[%multiple_of3A_20] : memref<320000xi32, #tpu.memory_space<hbm>> -> memref<80xi32, #tpu.memory_space<hbm>>
    tpu.enqueue_dma source(%dma_start3A_26 : memref<80xi32, #tpu.memory_space<hbm>>) target(%arg12 : memref<80xi32, #tpu.memory_space<vmem>>) target_semaphore(%arg24 : memref<!tpu.dma_semaphore, #tpu.memory_space<semaphore_mem>>)
    %dma_wait3A_27 = tpu.memref_slice %arg4[%multiple_of3A_20] : memref<320000xi32, #tpu.memory_space<hbm>> -> memref<80xi32, #tpu.memory_space<hbm>>
    %dma_wait3A_28 = tpu.memref_slice %arg4[%multiple_of3A_20] : memref<320000xi32, #tpu.memory_space<hbm>> -> memref<80xi32, #tpu.memory_space<hbm>>
    tpu.wait_dma2 semaphore(%arg24 : memref<!tpu.dma_semaphore, #tpu.memory_space<semaphore_mem>>) src(%dma_wait3A_28 : memref<80xi32, #tpu.memory_space<hbm>>) dst(%arg12 : memref<80xi32, #tpu.memory_space<vmem>>)
    %dma_start3A_29 = arith.constant 0 : i32
    %dma_start3A_30 = arith.constant 0 : i32
    %dma_start3A_31 = tpu.memref_slice %arg2[%dma_start3A_29, %dma_start3A_30] : memref<10000x128xf32, #tpu.memory_space<hbm>> -> memref<10000x128xf32, #tpu.memory_space<hbm>>
    tpu.enqueue_indirect_dma source(%dma_start3A_31 : memref<10000x128xf32, #tpu.memory_space<hbm>>) target(%arg16 : memref<80x128xf32, #tpu.memory_space<vmem>>) offsets(%arg8 : memref<80xi32, #tpu.memory_space<vmem>>) semaphore(%arg20 : memref<!tpu.dma_semaphore, #tpu.memory_space<semaphore_mem>>)
    %scan3A = arith.constant 0 : i32
    %scan3A_32 = arith.constant 0 : i32
    %scan3A_33 = arith.constant 31 : i32
    %scan3A_34 = arith.addi %scan3A_32, %scan3A_33 : i32
    %scan3A_35 = arith.constant 1 : i32
    scf.for %scan3A_63 = %scan3A_32 to %scan3A_34 step %scan3A_35  : i32 {
      %mul3A_64 = arith.constant 4 : i32
      %mul3A_65 = arith.muli %scan3A_63, %mul3A_64 : i32
      %add3A_66 = arith.constant 0 : i32
      %add3A_67 = arith.addi %mul3A_65, %add3A_66 : i32
      %dma_wait3A_68 = arith.constant 0 : i32
      %dma_wait3A_69 = arith.constant 0 : i32
      %dma_wait3A_70 = tpu.memref_slice %arg2[%dma_wait3A_68, %dma_wait3A_69] : memref<10000x128xf32, #tpu.memory_space<hbm>> -> memref<10000x128xf32, #tpu.memory_space<hbm>>
      tpu.wait_indirect_dma semaphore(%arg19 : memref<!tpu.dma_semaphore, #tpu.memory_space<semaphore_mem>>) src(%dma_wait3A_70 : memref<10000x128xf32, #tpu.memory_space<hbm>>) dst(%arg15 : memref<80x128xf32, #tpu.memory_space<vmem>>)
      %add3A_71 = arith.constant 2 : i32
      %add3A_72 = arith.addi %add3A_67, %add3A_71 : i32
      %lt3A = arith.constant 125 : i32
      %lt3A_73 = arith.cmpi slt, %add3A_72, %lt3A : i32
      %convert_element_type3A = arith.extui %lt3A_73 : i1 to i32
      %cond3A = arith.constant 0 : i32
      %cond3A_74 = arith.cmpi ne, %convert_element_type3A, %cond3A : i32
      scf.if %cond3A_74 {
        %sub3A = arith.constant 2 : i32
        %sub3A_157 = arith.subi %add3A_67, %sub3A : i32
        %ge3A = arith.constant 0 : i32
        %ge3A_158 = arith.cmpi sge, %sub3A_157, %ge3A : i32
        %convert_element_type3A_159 = arith.extui %ge3A_158 : i1 to i32
        %cond3A_160 = arith.constant 0 : i32
        %cond3A_161 = arith.cmpi ne, %convert_element_type3A_159, %cond3A_160 : i32
        scf.if %cond3A_161 {
          %dma_wait3A_172 = arith.constant 0 : i32
          %dma_wait3A_173 = arith.constant 0 : i32
          %dma_wait3A_174 = tpu.memref_slice %arg31[%dma_wait3A_172, %dma_wait3A_173] : memref<10240x128xf32, #tpu.memory_space<vmem_shared>> -> memref<10240x128xf32, #tpu.memory_space<vmem_shared>>
          tpu.wait_indirect_dma semaphore(%arg29 : memref<!tpu.dma_semaphore, #tpu.memory_space<semaphore_mem>>) src(%arg17 : memref<80x128xf32, #tpu.memory_space<vmem>>) dst(%dma_wait3A_174 : memref<10240x128xf32, #tpu.memory_space<vmem_shared>>)
        } else {
        }
        %add3A_162 = arith.constant 2 : i32
        %add3A_163 = arith.addi %add3A_67, %add3A_162 : i32
        %mul3A_164 = arith.constant 80 : i32
        %mul3A_165 = arith.muli %add3A_163, %mul3A_164 : i32
        %add3A_166 = arith.addi %mul3A_6, %mul3A_165 : i32
        %multiple_of3A_167 = tpu.assume_multiple %add3A_166, 8 : i32
        %dma_start3A_168 = tpu.memref_slice %arg3[%multiple_of3A_167] : memref<320000xi32, #tpu.memory_space<hbm>> -> memref<80xi32, #tpu.memory_space<hbm>>
        %dma_start3A_169 = tpu.memref_slice %arg3[%multiple_of3A_167] : memref<320000xi32, #tpu.memory_space<hbm>> -> memref<80xi32, #tpu.memory_space<hbm>>
        tpu.enqueue_dma source(%dma_start3A_169 : memref<80xi32, #tpu.memory_space<hbm>>) target(%arg9 : memref<80xi32, #tpu.memory_space<vmem>>) target_semaphore(%arg25 : memref<!tpu.dma_semaphore, #tpu.memory_space<semaphore_mem>>)
        %dma_start3A_170 = tpu.memref_slice %arg4[%multiple_of3A_167] : memref<320000xi32, #tpu.memory_space<hbm>> -> memref<80xi32, #tpu.memory_space<hbm>>
        %dma_start3A_171 = tpu.memref_slice %arg4[%multiple_of3A_167] : memref<320000xi32, #tpu.memory_space<hbm>> -> memref<80xi32, #tpu.memory_space<hbm>>
        tpu.enqueue_dma source(%dma_start3A_171 : memref<80xi32, #tpu.memory_space<hbm>>) target(%arg13 : memref<80xi32, #tpu.memory_space<vmem>>) target_semaphore(%arg25 : memref<!tpu.dma_semaphore, #tpu.memory_space<semaphore_mem>>)
      } else {
      }
      %dma_start3A_75 = arith.constant 0 : i32
      %dma_start3A_76 = arith.constant 0 : i32
      %dma_start3A_77 = tpu.memref_slice %arg31[%dma_start3A_75, %dma_start3A_76] : memref<10240x128xf32, #tpu.memory_space<vmem_shared>> -> memref<10240x128xf32, #tpu.memory_space<vmem_shared>>
      tpu.enqueue_indirect_dma source(%arg15 : memref<80x128xf32, #tpu.memory_space<vmem>>) target(%dma_start3A_77 : memref<10240x128xf32, #tpu.memory_space<vmem_shared>>) offsets(%arg11 : memref<80xi32, #tpu.memory_space<vmem>>) semaphore(%arg27 : memref<!tpu.dma_semaphore, #tpu.memory_space<semaphore_mem>>) {add = true}
      %add3A_78 = arith.constant 2 : i32
      %add3A_79 = arith.addi %add3A_67, %add3A_78 : i32
      %lt3A_80 = arith.constant 125 : i32
      %lt3A_81 = arith.cmpi slt, %add3A_79, %lt3A_80 : i32
      %convert_element_type3A_82 = arith.extui %lt3A_81 : i1 to i32
      %cond3A_83 = arith.constant 0 : i32
      %cond3A_84 = arith.cmpi ne, %convert_element_type3A_82, %cond3A_83 : i32
      scf.if %cond3A_84 {
        %add3A_157 = arith.constant 2 : i32
        %add3A_158 = arith.addi %add3A_67, %add3A_157 : i32
        %mul3A_159 = arith.constant 80 : i32
        %mul3A_160 = arith.muli %add3A_158, %mul3A_159 : i32
        %add3A_161 = arith.addi %mul3A_6, %mul3A_160 : i32
        %multiple_of3A_162 = tpu.assume_multiple %add3A_161, 8 : i32
        %dma_wait3A_163 = tpu.memref_slice %arg3[%multiple_of3A_162] : memref<320000xi32, #tpu.memory_space<hbm>> -> memref<80xi32, #tpu.memory_space<hbm>>
        %dma_wait3A_164 = tpu.memref_slice %arg3[%multiple_of3A_162] : memref<320000xi32, #tpu.memory_space<hbm>> -> memref<80xi32, #tpu.memory_space<hbm>>
        tpu.wait_dma2 semaphore(%arg25 : memref<!tpu.dma_semaphore, #tpu.memory_space<semaphore_mem>>) src(%dma_wait3A_164 : memref<80xi32, #tpu.memory_space<hbm>>) dst(%arg9 : memref<80xi32, #tpu.memory_space<vmem>>)
        %dma_wait3A_165 = tpu.memref_slice %arg4[%multiple_of3A_162] : memref<320000xi32, #tpu.memory_space<hbm>> -> memref<80xi32, #tpu.memory_space<hbm>>
        %dma_wait3A_166 = tpu.memref_slice %arg4[%multiple_of3A_162] : memref<320000xi32, #tpu.memory_space<hbm>> -> memref<80xi32, #tpu.memory_space<hbm>>
        tpu.wait_dma2 semaphore(%arg25 : memref<!tpu.dma_semaphore, #tpu.memory_space<semaphore_mem>>) src(%dma_wait3A_166 : memref<80xi32, #tpu.memory_space<hbm>>) dst(%arg13 : memref<80xi32, #tpu.memory_space<vmem>>)
        %dma_start3A_167 = arith.constant 0 : i32
        %dma_start3A_168 = arith.constant 0 : i32
        %dma_start3A_169 = tpu.memref_slice %arg2[%dma_start3A_167, %dma_start3A_168] : memref<10000x128xf32, #tpu.memory_space<hbm>> -> memref<10000x128xf32, #tpu.memory_space<hbm>>
        tpu.enqueue_indirect_dma source(%dma_start3A_169 : memref<10000x128xf32, #tpu.memory_space<hbm>>) target(%arg17 : memref<80x128xf32, #tpu.memory_space<vmem>>) offsets(%arg9 : memref<80xi32, #tpu.memory_space<vmem>>) semaphore(%arg21 : memref<!tpu.dma_semaphore, #tpu.memory_space<semaphore_mem>>)
      } else {
      }
      %mul3A_85 = arith.constant 4 : i32
      %mul3A_86 = arith.muli %scan3A_63, %mul3A_85 : i32
      %add3A_87 = arith.constant 1 : i32
      %add3A_88 = arith.addi %mul3A_86, %add3A_87 : i32
      %dma_wait3A_89 = arith.constant 0 : i32
      %dma_wait3A_90 = arith.constant 0 : i32
      %dma_wait3A_91 = tpu.memref_slice %arg2[%dma_wait3A_89, %dma_wait3A_90] : memref<10000x128xf32, #tpu.memory_space<hbm>> -> memref<10000x128xf32, #tpu.memory_space<hbm>>
      tpu.wait_indirect_dma semaphore(%arg20 : memref<!tpu.dma_semaphore, #tpu.memory_space<semaphore_mem>>) src(%dma_wait3A_91 : memref<10000x128xf32, #tpu.memory_space<hbm>>) dst(%arg16 : memref<80x128xf32, #tpu.memory_space<vmem>>)
      %add3A_92 = arith.constant 2 : i32
      %add3A_93 = arith.addi %add3A_88, %add3A_92 : i32
      %lt3A_94 = arith.constant 125 : i32
      %lt3A_95 = arith.cmpi slt, %add3A_93, %lt3A_94 : i32
      %convert_element_type3A_96 = arith.extui %lt3A_95 : i1 to i32
      %cond3A_97 = arith.constant 0 : i32
      %cond3A_98 = arith.cmpi ne, %convert_element_type3A_96, %cond3A_97 : i32
      scf.if %cond3A_98 {
        %sub3A = arith.constant 2 : i32
        %sub3A_157 = arith.subi %add3A_88, %sub3A : i32
        %ge3A = arith.constant 0 : i32
        %ge3A_158 = arith.cmpi sge, %sub3A_157, %ge3A : i32
        %convert_element_type3A_159 = arith.extui %ge3A_158 : i1 to i32
        %cond3A_160 = arith.constant 0 : i32
        %cond3A_161 = arith.cmpi ne, %convert_element_type3A_159, %cond3A_160 : i32
        scf.if %cond3A_161 {
          %dma_wait3A_172 = arith.constant 0 : i32
          %dma_wait3A_173 = arith.constant 0 : i32
          %dma_wait3A_174 = tpu.memref_slice %arg31[%dma_wait3A_172, %dma_wait3A_173] : memref<10240x128xf32, #tpu.memory_space<vmem_shared>> -> memref<10240x128xf32, #tpu.memory_space<vmem_shared>>
          tpu.wait_indirect_dma semaphore(%arg30 : memref<!tpu.dma_semaphore, #tpu.memory_space<semaphore_mem>>) src(%arg18 : memref<80x128xf32, #tpu.memory_space<vmem>>) dst(%dma_wait3A_174 : memref<10240x128xf32, #tpu.memory_space<vmem_shared>>)
        } else {
        }
        %add3A_162 = arith.constant 2 : i32
        %add3A_163 = arith.addi %add3A_88, %add3A_162 : i32
        %mul3A_164 = arith.constant 80 : i32
        %mul3A_165 = arith.muli %add3A_163, %mul3A_164 : i32
        %add3A_166 = arith.addi %mul3A_6, %mul3A_165 : i32
        %multiple_of3A_167 = tpu.assume_multiple %add3A_166, 8 : i32
        %dma_start3A_168 = tpu.memref_slice %arg3[%multiple_of3A_167] : memref<320000xi32, #tpu.memory_space<hbm>> -> memref<80xi32, #tpu.memory_space<hbm>>
        %dma_start3A_169 = tpu.memref_slice %arg3[%multiple_of3A_167] : memref<320000xi32, #tpu.memory_space<hbm>> -> memref<80xi32, #tpu.memory_space<hbm>>
        tpu.enqueue_dma source(%dma_start3A_169 : memref<80xi32, #tpu.memory_space<hbm>>) target(%arg10 : memref<80xi32, #tpu.memory_space<vmem>>) target_semaphore(%arg26 : memref<!tpu.dma_semaphore, #tpu.memory_space<semaphore_mem>>)
        %dma_start3A_170 = tpu.memref_slice %arg4[%multiple_of3A_167] : memref<320000xi32, #tpu.memory_space<hbm>> -> memref<80xi32, #tpu.memory_space<hbm>>
        %dma_start3A_171 = tpu.memref_slice %arg4[%multiple_of3A_167] : memref<320000xi32, #tpu.memory_space<hbm>> -> memref<80xi32, #tpu.memory_space<hbm>>
        tpu.enqueue_dma source(%dma_start3A_171 : memref<80xi32, #tpu.memory_space<hbm>>) target(%arg14 : memref<80xi32, #tpu.memory_space<vmem>>) target_semaphore(%arg26 : memref<!tpu.dma_semaphore, #tpu.memory_space<semaphore_mem>>)
      } else {
      }
      %dma_start3A_99 = arith.constant 0 : i32
      %dma_start3A_100 = arith.constant 0 : i32
      %dma_start3A_101 = tpu.memref_slice %arg31[%dma_start3A_99, %dma_start3A_100] : memref<10240x128xf32, #tpu.memory_space<vmem_shared>> -> memref<10240x128xf32, #tpu.memory_space<vmem_shared>>
      tpu.enqueue_indirect_dma source(%arg16 : memref<80x128xf32, #tpu.memory_space<vmem>>) target(%dma_start3A_101 : memref<10240x128xf32, #tpu.memory_space<vmem_shared>>) offsets(%arg12 : memref<80xi32, #tpu.memory_space<vmem>>) semaphore(%arg28 : memref<!tpu.dma_semaphore, #tpu.memory_space<semaphore_mem>>) {add = true}
      %add3A_102 = arith.constant 2 : i32
      %add3A_103 = arith.addi %add3A_88, %add3A_102 : i32
      %lt3A_104 = arith.constant 125 : i32
      %lt3A_105 = arith.cmpi slt, %add3A_103, %lt3A_104 : i32
      %convert_element_type3A_106 = arith.extui %lt3A_105 : i1 to i32
      %cond3A_107 = arith.constant 0 : i32
      %cond3A_108 = arith.cmpi ne, %convert_element_type3A_106, %cond3A_107 : i32
      scf.if %cond3A_108 {
        %add3A_157 = arith.constant 2 : i32
        %add3A_158 = arith.addi %add3A_88, %add3A_157 : i32
        %mul3A_159 = arith.constant 80 : i32
        %mul3A_160 = arith.muli %add3A_158, %mul3A_159 : i32
        %add3A_161 = arith.addi %mul3A_6, %mul3A_160 : i32
        %multiple_of3A_162 = tpu.assume_multiple %add3A_161, 8 : i32
        %dma_wait3A_163 = tpu.memref_slice %arg3[%multiple_of3A_162] : memref<320000xi32, #tpu.memory_space<hbm>> -> memref<80xi32, #tpu.memory_space<hbm>>
        %dma_wait3A_164 = tpu.memref_slice %arg3[%multiple_of3A_162] : memref<320000xi32, #tpu.memory_space<hbm>> -> memref<80xi32, #tpu.memory_space<hbm>>
        tpu.wait_dma2 semaphore(%arg26 : memref<!tpu.dma_semaphore, #tpu.memory_space<semaphore_mem>>) src(%dma_wait3A_164 : memref<80xi32, #tpu.memory_space<hbm>>) dst(%arg10 : memref<80xi32, #tpu.memory_space<vmem>>)
        %dma_wait3A_165 = tpu.memref_slice %arg4[%multiple_of3A_162] : memref<320000xi32, #tpu.memory_space<hbm>> -> memref<80xi32, #tpu.memory_space<hbm>>
        %dma_wait3A_166 = tpu.memref_slice %arg4[%multiple_of3A_162] : memref<320000xi32, #tpu.memory_space<hbm>> -> memref<80xi32, #tpu.memory_space<hbm>>
        tpu.wait_dma2 semaphore(%arg26 : memref<!tpu.dma_semaphore, #tpu.memory_space<semaphore_mem>>) src(%dma_wait3A_166 : memref<80xi32, #tpu.memory_space<hbm>>) dst(%arg14 : memref<80xi32, #tpu.memory_space<vmem>>)
        %dma_start3A_167 = arith.constant 0 : i32
        %dma_start3A_168 = arith.constant 0 : i32
        %dma_start3A_169 = tpu.memref_slice %arg2[%dma_start3A_167, %dma_start3A_168] : memref<10000x128xf32, #tpu.memory_space<hbm>> -> memref<10000x128xf32, #tpu.memory_space<hbm>>
        tpu.enqueue_indirect_dma source(%dma_start3A_169 : memref<10000x128xf32, #tpu.memory_space<hbm>>) target(%arg18 : memref<80x128xf32, #tpu.memory_space<vmem>>) offsets(%arg10 : memref<80xi32, #tpu.memory_space<vmem>>) semaphore(%arg22 : memref<!tpu.dma_semaphore, #tpu.memory_space<semaphore_mem>>)
      } else {
      }
      %mul3A_109 = arith.constant 4 : i32
      %mul3A_110 = arith.muli %scan3A_63, %mul3A_109 : i32
      %add3A_111 = arith.constant 2 : i32
      %add3A_112 = arith.addi %mul3A_110, %add3A_111 : i32
      %dma_wait3A_113 = arith.constant 0 : i32
      %dma_wait3A_114 = arith.constant 0 : i32
      %dma_wait3A_115 = tpu.memref_slice %arg2[%dma_wait3A_113, %dma_wait3A_114] : memref<10000x128xf32, #tpu.memory_space<hbm>> -> memref<10000x128xf32, #tpu.memory_space<hbm>>
      tpu.wait_indirect_dma semaphore(%arg21 : memref<!tpu.dma_semaphore, #tpu.memory_space<semaphore_mem>>) src(%dma_wait3A_115 : memref<10000x128xf32, #tpu.memory_space<hbm>>) dst(%arg17 : memref<80x128xf32, #tpu.memory_space<vmem>>)
      %add3A_116 = arith.constant 2 : i32
      %add3A_117 = arith.addi %add3A_112, %add3A_116 : i32
      %lt3A_118 = arith.constant 125 : i32
      %lt3A_119 = arith.cmpi slt, %add3A_117, %lt3A_118 : i32
      %convert_element_type3A_120 = arith.extui %lt3A_119 : i1 to i32
      %cond3A_121 = arith.constant 0 : i32
      %cond3A_122 = arith.cmpi ne, %convert_element_type3A_120, %cond3A_121 : i32
      scf.if %cond3A_122 {
        %sub3A = arith.constant 2 : i32
        %sub3A_157 = arith.subi %add3A_112, %sub3A : i32
        %ge3A = arith.constant 0 : i32
        %ge3A_158 = arith.cmpi sge, %sub3A_157, %ge3A : i32
        %convert_element_type3A_159 = arith.extui %ge3A_158 : i1 to i32
        %cond3A_160 = arith.constant 0 : i32
        %cond3A_161 = arith.cmpi ne, %convert_element_type3A_159, %cond3A_160 : i32
        scf.if %cond3A_161 {
          %dma_wait3A_172 = arith.constant 0 : i32
          %dma_wait3A_173 = arith.constant 0 : i32
          %dma_wait3A_174 = tpu.memref_slice %arg31[%dma_wait3A_172, %dma_wait3A_173] : memref<10240x128xf32, #tpu.memory_space<vmem_shared>> -> memref<10240x128xf32, #tpu.memory_space<vmem_shared>>
          tpu.wait_indirect_dma semaphore(%arg27 : memref<!tpu.dma_semaphore, #tpu.memory_space<semaphore_mem>>) src(%arg15 : memref<80x128xf32, #tpu.memory_space<vmem>>) dst(%dma_wait3A_174 : memref<10240x128xf32, #tpu.memory_space<vmem_shared>>)
        } else {
        }
        %add3A_162 = arith.constant 2 : i32
        %add3A_163 = arith.addi %add3A_112, %add3A_162 : i32
        %mul3A_164 = arith.constant 80 : i32
        %mul3A_165 = arith.muli %add3A_163, %mul3A_164 : i32
        %add3A_166 = arith.addi %mul3A_6, %mul3A_165 : i32
        %multiple_of3A_167 = tpu.assume_multiple %add3A_166, 8 : i32
        %dma_start3A_168 = tpu.memref_slice %arg3[%multiple_of3A_167] : memref<320000xi32, #tpu.memory_space<hbm>> -> memref<80xi32, #tpu.memory_space<hbm>>
        %dma_start3A_169 = tpu.memref_slice %arg3[%multiple_of3A_167] : memref<320000xi32, #tpu.memory_space<hbm>> -> memref<80xi32, #tpu.memory_space<hbm>>
        tpu.enqueue_dma source(%dma_start3A_169 : memref<80xi32, #tpu.memory_space<hbm>>) target(%arg7 : memref<80xi32, #tpu.memory_space<vmem>>) target_semaphore(%arg23 : memref<!tpu.dma_semaphore, #tpu.memory_space<semaphore_mem>>)
        %dma_start3A_170 = tpu.memref_slice %arg4[%multiple_of3A_167] : memref<320000xi32, #tpu.memory_space<hbm>> -> memref<80xi32, #tpu.memory_space<hbm>>
        %dma_start3A_171 = tpu.memref_slice %arg4[%multiple_of3A_167] : memref<320000xi32, #tpu.memory_space<hbm>> -> memref<80xi32, #tpu.memory_space<hbm>>
        tpu.enqueue_dma source(%dma_start3A_171 : memref<80xi32, #tpu.memory_space<hbm>>) target(%arg11 : memref<80xi32, #tpu.memory_space<vmem>>) target_semaphore(%arg23 : memref<!tpu.dma_semaphore, #tpu.memory_space<semaphore_mem>>)
      } else {
      }
      %dma_start3A_123 = arith.constant 0 : i32
      %dma_start3A_124 = arith.constant 0 : i32
      %dma_start3A_125 = tpu.memref_slice %arg31[%dma_start3A_123, %dma_start3A_124] : memref<10240x128xf32, #tpu.memory_space<vmem_shared>> -> memref<10240x128xf32, #tpu.memory_space<vmem_shared>>
      tpu.enqueue_indirect_dma source(%arg17 : memref<80x128xf32, #tpu.memory_space<vmem>>) target(%dma_start3A_125 : memref<10240x128xf32, #tpu.memory_space<vmem_shared>>) offsets(%arg13 : memref<80xi32, #tpu.memory_space<vmem>>) semaphore(%arg29 : memref<!tpu.dma_semaphore, #tpu.memory_space<semaphore_mem>>) {add = true}
      %add3A_126 = arith.constant 2 : i32
      %add3A_127 = arith.addi %add3A_112, %add3A_126 : i32
      %lt3A_128 = arith.constant 125 : i32
      %lt3A_129 = arith.cmpi slt, %add3A_127, %lt3A_128 : i32
      %convert_element_type3A_130 = arith.extui %lt3A_129 : i1 to i32
      %cond3A_131 = arith.constant 0 : i32
      %cond3A_132 = arith.cmpi ne, %convert_element_type3A_130, %cond3A_131 : i32
      scf.if %cond3A_132 {
        %add3A_157 = arith.constant 2 : i32
        %add3A_158 = arith.addi %add3A_112, %add3A_157 : i32
        %mul3A_159 = arith.constant 80 : i32
        %mul3A_160 = arith.muli %add3A_158, %mul3A_159 : i32
        %add3A_161 = arith.addi %mul3A_6, %mul3A_160 : i32
        %multiple_of3A_162 = tpu.assume_multiple %add3A_161, 8 : i32
        %dma_wait3A_163 = tpu.memref_slice %arg3[%multiple_of3A_162] : memref<320000xi32, #tpu.memory_space<hbm>> -> memref<80xi32, #tpu.memory_space<hbm>>
        %dma_wait3A_164 = tpu.memref_slice %arg3[%multiple_of3A_162] : memref<320000xi32, #tpu.memory_space<hbm>> -> memref<80xi32, #tpu.memory_space<hbm>>
        tpu.wait_dma2 semaphore(%arg23 : memref<!tpu.dma_semaphore, #tpu.memory_space<semaphore_mem>>) src(%dma_wait3A_164 : memref<80xi32, #tpu.memory_space<hbm>>) dst(%arg7 : memref<80xi32, #tpu.memory_space<vmem>>)
        %dma_wait3A_165 = tpu.memref_slice %arg4[%multiple_of3A_162] : memref<320000xi32, #tpu.memory_space<hbm>> -> memref<80xi32, #tpu.memory_space<hbm>>
        %dma_wait3A_166 = tpu.memref_slice %arg4[%multiple_of3A_162] : memref<320000xi32, #tpu.memory_space<hbm>> -> memref<80xi32, #tpu.memory_space<hbm>>
        tpu.wait_dma2 semaphore(%arg23 : memref<!tpu.dma_semaphore, #tpu.memory_space<semaphore_mem>>) src(%dma_wait3A_166 : memref<80xi32, #tpu.memory_space<hbm>>) dst(%arg11 : memref<80xi32, #tpu.memory_space<vmem>>)
        %dma_start3A_167 = arith.constant 0 : i32
        %dma_start3A_168 = arith.constant 0 : i32
        %dma_start3A_169 = tpu.memref_slice %arg2[%dma_start3A_167, %dma_start3A_168] : memref<10000x128xf32, #tpu.memory_space<hbm>> -> memref<10000x128xf32, #tpu.memory_space<hbm>>
        tpu.enqueue_indirect_dma source(%dma_start3A_169 : memref<10000x128xf32, #tpu.memory_space<hbm>>) target(%arg15 : memref<80x128xf32, #tpu.memory_space<vmem>>) offsets(%arg7 : memref<80xi32, #tpu.memory_space<vmem>>) semaphore(%arg19 : memref<!tpu.dma_semaphore, #tpu.memory_space<semaphore_mem>>)
      } else {
      }
      %mul3A_133 = arith.constant 4 : i32
      %mul3A_134 = arith.muli %scan3A_63, %mul3A_133 : i32
      %add3A_135 = arith.constant 3 : i32
      %add3A_136 = arith.addi %mul3A_134, %add3A_135 : i32
      %dma_wait3A_137 = arith.constant 0 : i32
      %dma_wait3A_138 = arith.constant 0 : i32
      %dma_wait3A_139 = tpu.memref_slice %arg2[%dma_wait3A_137, %dma_wait3A_138] : memref<10000x128xf32, #tpu.memory_space<hbm>> -> memref<10000x128xf32, #tpu.memory_space<hbm>>
      tpu.wait_indirect_dma semaphore(%arg22 : memref<!tpu.dma_semaphore, #tpu.memory_space<semaphore_mem>>) src(%dma_wait3A_139 : memref<10000x128xf32, #tpu.memory_space<hbm>>) dst(%arg18 : memref<80x128xf32, #tpu.memory_space<vmem>>)
      %add3A_140 = arith.constant 2 : i32
      %add3A_141 = arith.addi %add3A_136, %add3A_140 : i32
      %lt3A_142 = arith.constant 125 : i32
      %lt3A_143 = arith.cmpi slt, %add3A_141, %lt3A_142 : i32
      %convert_element_type3A_144 = arith.extui %lt3A_143 : i1 to i32
      %cond3A_145 = arith.constant 0 : i32
      %cond3A_146 = arith.cmpi ne, %convert_element_type3A_144, %cond3A_145 : i32
      scf.if %cond3A_146 {
        %sub3A = arith.constant 2 : i32
        %sub3A_157 = arith.subi %add3A_136, %sub3A : i32
        %ge3A = arith.constant 0 : i32
        %ge3A_158 = arith.cmpi sge, %sub3A_157, %ge3A : i32
        %convert_element_type3A_159 = arith.extui %ge3A_158 : i1 to i32
        %cond3A_160 = arith.constant 0 : i32
        %cond3A_161 = arith.cmpi ne, %convert_element_type3A_159, %cond3A_160 : i32
        scf.if %cond3A_161 {
          %dma_wait3A_172 = arith.constant 0 : i32
          %dma_wait3A_173 = arith.constant 0 : i32
          %dma_wait3A_174 = tpu.memref_slice %arg31[%dma_wait3A_172, %dma_wait3A_173] : memref<10240x128xf32, #tpu.memory_space<vmem_shared>> -> memref<10240x128xf32, #tpu.memory_space<vmem_shared>>
          tpu.wait_indirect_dma semaphore(%arg28 : memref<!tpu.dma_semaphore, #tpu.memory_space<semaphore_mem>>) src(%arg16 : memref<80x128xf32, #tpu.memory_space<vmem>>) dst(%dma_wait3A_174 : memref<10240x128xf32, #tpu.memory_space<vmem_shared>>)
        } else {
        }
        %add3A_162 = arith.constant 2 : i32
        %add3A_163 = arith.addi %add3A_136, %add3A_162 : i32
        %mul3A_164 = arith.constant 80 : i32
        %mul3A_165 = arith.muli %add3A_163, %mul3A_164 : i32
        %add3A_166 = arith.addi %mul3A_6, %mul3A_165 : i32
        %multiple_of3A_167 = tpu.assume_multiple %add3A_166, 8 : i32
        %dma_start3A_168 = tpu.memref_slice %arg3[%multiple_of3A_167] : memref<320000xi32, #tpu.memory_space<hbm>> -> memref<80xi32, #tpu.memory_space<hbm>>
        %dma_start3A_169 = tpu.memref_slice %arg3[%multiple_of3A_167] : memref<320000xi32, #tpu.memory_space<hbm>> -> memref<80xi32, #tpu.memory_space<hbm>>
        tpu.enqueue_dma source(%dma_start3A_169 : memref<80xi32, #tpu.memory_space<hbm>>) target(%arg8 : memref<80xi32, #tpu.memory_space<vmem>>) target_semaphore(%arg24 : memref<!tpu.dma_semaphore, #tpu.memory_space<semaphore_mem>>)
        %dma_start3A_170 = tpu.memref_slice %arg4[%multiple_of3A_167] : memref<320000xi32, #tpu.memory_space<hbm>> -> memref<80xi32, #tpu.memory_space<hbm>>
        %dma_start3A_171 = tpu.memref_slice %arg4[%multiple_of3A_167] : memref<320000xi32, #tpu.memory_space<hbm>> -> memref<80xi32, #tpu.memory_space<hbm>>
        tpu.enqueue_dma source(%dma_start3A_171 : memref<80xi32, #tpu.memory_space<hbm>>) target(%arg12 : memref<80xi32, #tpu.memory_space<vmem>>) target_semaphore(%arg24 : memref<!tpu.dma_semaphore, #tpu.memory_space<semaphore_mem>>)
      } else {
      }
      %dma_start3A_147 = arith.constant 0 : i32
      %dma_start3A_148 = arith.constant 0 : i32
      %dma_start3A_149 = tpu.memref_slice %arg31[%dma_start3A_147, %dma_start3A_148] : memref<10240x128xf32, #tpu.memory_space<vmem_shared>> -> memref<10240x128xf32, #tpu.memory_space<vmem_shared>>
      tpu.enqueue_indirect_dma source(%arg18 : memref<80x128xf32, #tpu.memory_space<vmem>>) target(%dma_start3A_149 : memref<10240x128xf32, #tpu.memory_space<vmem_shared>>) offsets(%arg14 : memref<80xi32, #tpu.memory_space<vmem>>) semaphore(%arg30 : memref<!tpu.dma_semaphore, #tpu.memory_space<semaphore_mem>>) {add = true}
      %add3A_150 = arith.constant 2 : i32
      %add3A_151 = arith.addi %add3A_136, %add3A_150 : i32
      %lt3A_152 = arith.constant 125 : i32
      %lt3A_153 = arith.cmpi slt, %add3A_151, %lt3A_152 : i32
      %convert_element_type3A_154 = arith.extui %lt3A_153 : i1 to i32
      %cond3A_155 = arith.constant 0 : i32
      %cond3A_156 = arith.cmpi ne, %convert_element_type3A_154, %cond3A_155 : i32
      scf.if %cond3A_156 {
        %add3A_157 = arith.constant 2 : i32
        %add3A_158 = arith.addi %add3A_136, %add3A_157 : i32
        %mul3A_159 = arith.constant 80 : i32
        %mul3A_160 = arith.muli %add3A_158, %mul3A_159 : i32
        %add3A_161 = arith.addi %mul3A_6, %mul3A_160 : i32
        %multiple_of3A_162 = tpu.assume_multiple %add3A_161, 8 : i32
        %dma_wait3A_163 = tpu.memref_slice %arg3[%multiple_of3A_162] : memref<320000xi32, #tpu.memory_space<hbm>> -> memref<80xi32, #tpu.memory_space<hbm>>
        %dma_wait3A_164 = tpu.memref_slice %arg3[%multiple_of3A_162] : memref<320000xi32, #tpu.memory_space<hbm>> -> memref<80xi32, #tpu.memory_space<hbm>>
        tpu.wait_dma2 semaphore(%arg24 : memref<!tpu.dma_semaphore, #tpu.memory_space<semaphore_mem>>) src(%dma_wait3A_164 : memref<80xi32, #tpu.memory_space<hbm>>) dst(%arg8 : memref<80xi32, #tpu.memory_space<vmem>>)
        %dma_wait3A_165 = tpu.memref_slice %arg4[%multiple_of3A_162] : memref<320000xi32, #tpu.memory_space<hbm>> -> memref<80xi32, #tpu.memory_space<hbm>>
        %dma_wait3A_166 = tpu.memref_slice %arg4[%multiple_of3A_162] : memref<320000xi32, #tpu.memory_space<hbm>> -> memref<80xi32, #tpu.memory_space<hbm>>
        tpu.wait_dma2 semaphore(%arg24 : memref<!tpu.dma_semaphore, #tpu.memory_space<semaphore_mem>>) src(%dma_wait3A_166 : memref<80xi32, #tpu.memory_space<hbm>>) dst(%arg12 : memref<80xi32, #tpu.memory_space<vmem>>)
        %dma_start3A_167 = arith.constant 0 : i32
        %dma_start3A_168 = arith.constant 0 : i32
        %dma_start3A_169 = tpu.memref_slice %arg2[%dma_start3A_167, %dma_start3A_168] : memref<10000x128xf32, #tpu.memory_space<hbm>> -> memref<10000x128xf32, #tpu.memory_space<hbm>>
        tpu.enqueue_indirect_dma source(%dma_start3A_169 : memref<10000x128xf32, #tpu.memory_space<hbm>>) target(%arg16 : memref<80x128xf32, #tpu.memory_space<vmem>>) offsets(%arg8 : memref<80xi32, #tpu.memory_space<vmem>>) semaphore(%arg20 : memref<!tpu.dma_semaphore, #tpu.memory_space<semaphore_mem>>)
      } else {
      }
    }
    %scan3A_36 = arith.constant 31 : i32
    %dma_wait3A_37 = arith.constant 0 : i32
    %dma_wait3A_38 = arith.constant 0 : i32
    %dma_wait3A_39 = tpu.memref_slice %arg2[%dma_wait3A_37, %dma_wait3A_38] : memref<10000x128xf32, #tpu.memory_space<hbm>> -> memref<10000x128xf32, #tpu.memory_space<hbm>>
    tpu.wait_indirect_dma semaphore(%arg19 : memref<!tpu.dma_semaphore, #tpu.memory_space<semaphore_mem>>) src(%dma_wait3A_39 : memref<10000x128xf32, #tpu.memory_space<hbm>>) dst(%arg15 : memref<80x128xf32, #tpu.memory_space<vmem>>)
    %dma_start3A_40 = arith.constant 0 : i32
    %dma_start3A_41 = arith.constant 0 : i32
    %dma_start3A_42 = tpu.memref_slice %arg31[%dma_start3A_40, %dma_start3A_41] : memref<10240x128xf32, #tpu.memory_space<vmem_shared>> -> memref<10240x128xf32, #tpu.memory_space<vmem_shared>>
    tpu.enqueue_indirect_dma source(%arg15 : memref<80x128xf32, #tpu.memory_space<vmem>>) target(%dma_start3A_42 : memref<10240x128xf32, #tpu.memory_space<vmem_shared>>) offsets(%arg11 : memref<80xi32, #tpu.memory_space<vmem>>) semaphore(%arg27 : memref<!tpu.dma_semaphore, #tpu.memory_space<semaphore_mem>>) {add = true}
    %dma_wait3A_43 = arith.constant 0 : i32
    %dma_wait3A_44 = arith.constant 0 : i32
    %dma_wait3A_45 = tpu.memref_slice %arg31[%dma_wait3A_43, %dma_wait3A_44] : memref<10240x128xf32, #tpu.memory_space<vmem_shared>> -> memref<10240x128xf32, #tpu.memory_space<vmem_shared>>
    tpu.wait_indirect_dma semaphore(%arg28 : memref<!tpu.dma_semaphore, #tpu.memory_space<semaphore_mem>>) src(%arg16 : memref<80x128xf32, #tpu.memory_space<vmem>>) dst(%dma_wait3A_45 : memref<10240x128xf32, #tpu.memory_space<vmem_shared>>)
    %dma_wait3A_46 = arith.constant 0 : i32
    %dma_wait3A_47 = arith.constant 0 : i32
    %dma_wait3A_48 = tpu.memref_slice %arg31[%dma_wait3A_46, %dma_wait3A_47] : memref<10240x128xf32, #tpu.memory_space<vmem_shared>> -> memref<10240x128xf32, #tpu.memory_space<vmem_shared>>
    tpu.wait_indirect_dma semaphore(%arg29 : memref<!tpu.dma_semaphore, #tpu.memory_space<semaphore_mem>>) src(%arg17 : memref<80x128xf32, #tpu.memory_space<vmem>>) dst(%dma_wait3A_48 : memref<10240x128xf32, #tpu.memory_space<vmem_shared>>)
    %dma_wait3A_49 = arith.constant 0 : i32
    %dma_wait3A_50 = arith.constant 0 : i32
    %dma_wait3A_51 = tpu.memref_slice %arg31[%dma_wait3A_49, %dma_wait3A_50] : memref<10240x128xf32, #tpu.memory_space<vmem_shared>> -> memref<10240x128xf32, #tpu.memory_space<vmem_shared>>
    tpu.wait_indirect_dma semaphore(%arg30 : memref<!tpu.dma_semaphore, #tpu.memory_space<semaphore_mem>>) src(%arg18 : memref<80x128xf32, #tpu.memory_space<vmem>>) dst(%dma_wait3A_51 : memref<10240x128xf32, #tpu.memory_space<vmem_shared>>)
    %dma_wait3A_52 = arith.constant 0 : i32
    %dma_wait3A_53 = arith.constant 0 : i32
    %dma_wait3A_54 = tpu.memref_slice %arg31[%dma_wait3A_52, %dma_wait3A_53] : memref<10240x128xf32, #tpu.memory_space<vmem_shared>> -> memref<10240x128xf32, #tpu.memory_space<vmem_shared>>
    tpu.wait_indirect_dma semaphore(%arg27 : memref<!tpu.dma_semaphore, #tpu.memory_space<semaphore_mem>>) src(%arg15 : memref<80x128xf32, #tpu.memory_space<vmem>>) dst(%dma_wait3A_54 : memref<10240x128xf32, #tpu.memory_space<vmem_shared>>)
    %barrier3A_55 = arith.constant 0 : index
    tpu.barrier barrier_id(%barrier3A_55)
    %mul3A_56 = arith.constant 640 : i32
    %mul3A_57 = arith.muli %arg1, %mul3A_56 : i32
    %mul3A_58 = arith.constant 10240 : i32
    %mul3A_59 = arith.muli %arg0, %mul3A_58 : i32
    %mul3A_60 = arith.constant 640 : i32
    %mul3A_61 = arith.muli %arg1, %mul3A_60 : i32
    %add3A_62 = arith.addi %mul3A_59, %mul3A_61 : i32
    "tpu.region"() ({
      %run_scoped3A = tpu.sem_alloc : memref<!tpu.dma_semaphore, #tpu.memory_space<semaphore_mem>>
      %dma_start3A_63 = arith.constant 0 : i32
      %dma_start3A_64 = tpu.memref_slice %arg6[%add3A_62, %dma_start3A_63] : memref<20480x128xf32, #tpu.memory_space<hbm>> -> memref<640x128xf32, #tpu.memory_space<hbm>>
      %dma_start3A_65 = arith.constant 0 : i32
      %dma_start3A_66 = tpu.memref_slice %arg31[%mul3A_57, %dma_start3A_65] : memref<10240x128xf32, #tpu.memory_space<vmem_shared>> -> memref<640x128xf32, #tpu.memory_space<vmem_shared>>
      tpu.enqueue_dma source(%dma_start3A_66 : memref<640x128xf32, #tpu.memory_space<vmem_shared>>) target(%dma_start3A_64 : memref<640x128xf32, #tpu.memory_space<hbm>>) target_semaphore(%run_scoped3A : memref<!tpu.dma_semaphore, #tpu.memory_space<semaphore_mem>>)
      %dma_wait3A_67 = arith.constant 0 : i32
      %dma_wait3A_68 = tpu.memref_slice %arg6[%add3A_62, %dma_wait3A_67] : memref<20480x128xf32, #tpu.memory_space<hbm>> -> memref<640x128xf32, #tpu.memory_space<hbm>>
      %dma_wait3A_69 = arith.constant 0 : i32
      %dma_wait3A_70 = tpu.memref_slice %arg31[%mul3A_57, %dma_wait3A_69] : memref<10240x128xf32, #tpu.memory_space<vmem_shared>> -> memref<640x128xf32, #tpu.memory_space<vmem_shared>>
      tpu.wait_dma2 semaphore(%run_scoped3A : memref<!tpu.dma_semaphore, #tpu.memory_space<semaphore_mem>>) src(%dma_wait3A_70 : memref<640x128xf32, #tpu.memory_space<vmem_shared>>) dst(%dma_wait3A_68 : memref<640x128xf32, #tpu.memory_space<hbm>>)
      tpu.yield
    }) : () -> ()
    return
  }
}

module attributes {stable_mosaic.version = 14 : i64} {
  func.func @body(%arg0: i32, %arg1: memref<2000x128xf32, #tpu.memory_space<vmem>>, %arg2: memref<128x128xf32, #tpu.memory_space<vmem>>, %arg3: memref<2000x1xf32, #tpu.memory_space<vmem>>, %arg4: memref<2000x128xf32, #tpu.memory_space<vmem>>, %arg5: memref<2000x128xf32, #tpu.memory_space<vmem>>) attributes {dimension_semantics = [#tpu.dimension_semantics<arbitrary>], iteration_bounds = array<i64: 5>, scalar_prefetch = 0 : i64, scratch_operands = 0 : i64, tpu.core_type = #tpu.core_type<tc>, window_params = [{transform_indices = @transform_0, window_bounds = array<i64: 2000, 128>}, {pipeline_mode = #tpu.pipeline_mode<synchronous>, transform_indices = @transform_1, window_bounds = array<i64: 128, 128>}, {transform_indices = @transform_2, window_bounds = array<i64: 2000, 1>}, {transform_indices = @transform_3, window_bounds = array<i64: 2000, 128>}, {transform_indices = @transform_4, window_bounds = array<i64: 2000, 128>}]} {
    %get3A = arith.constant 0 : index
    %get3A_0 = arith.constant 0 : index
    %get3A_1 = vector.load %arg3[%get3A, %get3A_0] : memref<2000x1xf32, #tpu.memory_space<vmem>>, vector<2000x1xf32>
    %get3A_2 = arith.constant 0 : index
    %get3A_3 = arith.constant 0 : index
    %get3A_4 = vector.load %arg1[%get3A_2, %get3A_3] : memref<2000x128xf32, #tpu.memory_space<vmem>>, vector<2000x128xf32>
    %get3A_5 = arith.constant 0 : index
    %get3A_6 = arith.constant 0 : index
    %get3A_7 = vector.load %arg2[%get3A_5, %get3A_6] : memref<128x128xf32, #tpu.memory_space<vmem>>, vector<128x128xf32>
    %dot_general3A = arith.constant dense<0.000000e+00> : vector<2000x128xf32>
    %dot_general3A_8 = tpu.matmul %get3A_4, %get3A_7, %dot_general3A {dimension_numbers = #tpu.dot_dimension_numbers<[1], [0], [0], [1], [0, 0, 1, 1], [], []>, precision = #tpu.contract_precision<fp32>, transpose_lhs_hint = false} : vector<2000x128xf32>, vector<128x128xf32>, vector<2000x128xf32> -> vector<2000x128xf32>
    %swap3A = arith.constant 0 : index
    %swap3A_9 = arith.constant 0 : index
    %swap3A_10 = vector.load %arg4[%swap3A, %swap3A_9] : memref<2000x128xf32, #tpu.memory_space<vmem>>, vector<2000x128xf32>
    tpu.vector_store %arg4[%swap3A, %swap3A_9], %dot_general3A_8 {strides = array<i32>} : memref<2000x128xf32, #tpu.memory_space<vmem>>, vector<2000x128xf32>,
    %mul3A = vector.broadcast %get3A_1 : vector<2000x1xf32> to vector<2000x128xf32>
    %mul3A_11 = arith.mulf %dot_general3A_8, %mul3A : vector<2000x128xf32>
    %swap3A_12 = arith.constant 0 : index
    %swap3A_13 = arith.constant 0 : index
    %swap3A_14 = vector.load %arg5[%swap3A_12, %swap3A_13] : memref<2000x128xf32, #tpu.memory_space<vmem>>, vector<2000x128xf32>
    tpu.vector_store %arg5[%swap3A_12, %swap3A_13], %mul3A_11 {strides = array<i32>} : memref<2000x128xf32, #tpu.memory_space<vmem>>, vector<2000x128xf32>,
    return
  }
  func.func @transform_0(%arg0: i32) -> (i32, i32) {
    %c0_i32 = arith.constant 0 : i32
    %c0_i32_0 = arith.constant 0 : i32
    return %arg0, %c0_i32 : i32, i32
  }
  func.func @transform_1(%arg0: i32) -> (i32, i32) {
    %c0_i32 = arith.constant 0 : i32
    %c0_i32_0 = arith.constant 0 : i32
    %c0_i32_1 = arith.constant 0 : i32
    return %c0_i32, %c0_i32_0 : i32, i32
  }
  func.func @transform_2(%arg0: i32) -> (i32, i32) {
    %c0_i32 = arith.constant 0 : i32
    %c0_i32_0 = arith.constant 0 : i32
    return %arg0, %c0_i32 : i32, i32
  }
  func.func @transform_3(%arg0: i32) -> (i32, i32) {
    %c0_i32 = arith.constant 0 : i32
    %c0_i32_0 = arith.constant 0 : i32
    return %arg0, %c0_i32 : i32, i32
  }
  func.func @transform_4(%arg0: i32) -> (i32, i32) {
    %c0_i32 = arith.constant 0 : i32
    %c0_i32_0 = arith.constant 0 : i32
    return %arg0, %c0_i32 : i32, i32
  }
}

module attributes {stable_mosaic.version = 14 : i64} {
  func.func @body(%arg0: i32, %arg1: memref<1x2000x128xf32, #tpu.memory_space<vmem>>, %arg2: memref<1x2000x128xf32, #tpu.memory_space<vmem>>, %arg3: memref<2000x128xf32, #tpu.memory_space<vmem>>, %arg4: memref<2000x1xf32, #tpu.memory_space<vmem>>, %arg5: memref<1x128xf32, #tpu.memory_space<vmem>>, %arg6: memref<128x128xf32, #tpu.memory_space<vmem>>, %arg7: memref<2000x128xf32, #tpu.memory_space<vmem>>, %arg8: memref<2000x128xf32, #tpu.memory_space<vmem>>) attributes {dimension_semantics = [#tpu.dimension_semantics<arbitrary>], iteration_bounds = array<i64: 5>, scalar_prefetch = 0 : i64, scratch_operands = 0 : i64, tpu.core_type = #tpu.core_type<tc>, window_params = [{transform_indices = @transform_0, window_bounds = array<i64: 1, 2000, 128>}, {transform_indices = @transform_1, window_bounds = array<i64: 1, 2000, 128>}, {transform_indices = @transform_2, window_bounds = array<i64: 2000, 128>}, {transform_indices = @transform_3, window_bounds = array<i64: 2000, 1>}, {pipeline_mode = #tpu.pipeline_mode<synchronous>, transform_indices = @transform_4, window_bounds = array<i64: 1, 128>}, {pipeline_mode = #tpu.pipeline_mode<synchronous>, transform_indices = @transform_5, window_bounds = array<i64: 128, 128>}, {transform_indices = @transform_6, window_bounds = array<i64: 2000, 128>}, {transform_indices = @transform_7, window_bounds = array<i64: 2000, 128>}]} {
    %get3A = arith.constant 0 : index
    %get3A_0 = arith.constant 0 : index
    %get3A_1 = vector.load %arg4[%get3A, %get3A_0] : memref<2000x1xf32, #tpu.memory_space<vmem>>, vector<2000x1xf32>
    %get3A_2 = arith.constant 0 : index
    %get3A_3 = arith.constant 0 : index
    %get3A_4 = arith.constant 0 : index
    %get3A_5 = vector.load %arg1[%get3A_2, %get3A_3, %get3A_4] : memref<1x2000x128xf32, #tpu.memory_space<vmem>>, vector<1x2000x128xf32>
    %get3A_6 = vector.shape_cast %get3A_5 : vector<1x2000x128xf32> to vector<2000x128xf32>
    %get3A_7 = arith.constant 0 : index
    %get3A_8 = arith.constant 0 : index
    %get3A_9 = arith.constant 0 : index
    %get3A_10 = vector.load %arg2[%get3A_7, %get3A_8, %get3A_9] : memref<1x2000x128xf32, #tpu.memory_space<vmem>>, vector<1x2000x128xf32>
    %get3A_11 = vector.shape_cast %get3A_10 : vector<1x2000x128xf32> to vector<2000x128xf32>
    %add3A = arith.addf %get3A_6, %get3A_11 : vector<2000x128xf32>
    %mul3A = vector.broadcast %get3A_1 : vector<2000x1xf32> to vector<2000x128xf32>
    %mul3A_12 = arith.mulf %mul3A, %add3A : vector<2000x128xf32>
    %mul3A_13 = arith.mulf %get3A_1, %get3A_1 : vector<2000x1xf32>
    %get3A_14 = arith.constant 0 : index
    %get3A_15 = arith.constant 0 : index
    %get3A_16 = vector.load %arg3[%get3A_14, %get3A_15] : memref<2000x128xf32, #tpu.memory_space<vmem>>, vector<2000x128xf32>
    %mul3A_17 = vector.broadcast %mul3A_13 : vector<2000x1xf32> to vector<2000x128xf32>
    %mul3A_18 = arith.mulf %mul3A_17, %get3A_16 : vector<2000x128xf32>
    %add3A_19 = arith.addf %mul3A_12, %mul3A_18 : vector<2000x128xf32>
    %get3A_20 = arith.constant 0 : index
    %get3A_21 = arith.constant 0 : index
    %get3A_22 = vector.load %arg5[%get3A_20, %get3A_21] : memref<1x128xf32, #tpu.memory_space<vmem>>, vector<1x128xf32>
    %add3A_23 = vector.broadcast %get3A_22 : vector<1x128xf32> to vector<2000x128xf32>
    %add3A_24 = arith.addf %add3A_19, %add3A_23 : vector<2000x128xf32>
    %max3A = arith.constant 0.000000e+00 : f32
    %max3A_25 = vector.broadcast %max3A : f32 to vector<2000x128xf32>
    %max3A_26 = arith.maximumf %add3A_24, %max3A_25 : vector<2000x128xf32>
    %get3A_27 = arith.constant 0 : index
    %get3A_28 = arith.constant 0 : index
    %get3A_29 = vector.load %arg6[%get3A_27, %get3A_28] : memref<128x128xf32, #tpu.memory_space<vmem>>, vector<128x128xf32>
    %dot_general3A = arith.constant dense<0.000000e+00> : vector<2000x128xf32>
    %dot_general3A_30 = tpu.matmul %max3A_26, %get3A_29, %dot_general3A {dimension_numbers = #tpu.dot_dimension_numbers<[1], [0], [0], [1], [0, 0, 1, 1], [], []>, precision = #tpu.contract_precision<fp32>, transpose_lhs_hint = false} : vector<2000x128xf32>, vector<128x128xf32>, vector<2000x128xf32> -> vector<2000x128xf32>
    %swap3A = arith.constant 0 : index
    %swap3A_31 = arith.constant 0 : index
    %swap3A_32 = vector.load %arg7[%swap3A, %swap3A_31] : memref<2000x128xf32, #tpu.memory_space<vmem>>, vector<2000x128xf32>
    tpu.vector_store %arg7[%swap3A, %swap3A_31], %dot_general3A_30 {strides = array<i32>} : memref<2000x128xf32, #tpu.memory_space<vmem>>, vector<2000x128xf32>,
    %mul3A_33 = vector.broadcast %get3A_1 : vector<2000x1xf32> to vector<2000x128xf32>
    %mul3A_34 = arith.mulf %dot_general3A_30, %mul3A_33 : vector<2000x128xf32>
    %swap3A_35 = arith.constant 0 : index
    %swap3A_36 = arith.constant 0 : index
    %swap3A_37 = vector.load %arg8[%swap3A_35, %swap3A_36] : memref<2000x128xf32, #tpu.memory_space<vmem>>, vector<2000x128xf32>
    tpu.vector_store %arg8[%swap3A_35, %swap3A_36], %mul3A_34 {strides = array<i32>} : memref<2000x128xf32, #tpu.memory_space<vmem>>, vector<2000x128xf32>,
    return
  }
  func.func @transform_0(%arg0: i32) -> (i32, i32, i32) {
    %c0_i32 = arith.constant 0 : i32
    %c0_i32_0 = arith.constant 0 : i32
    %c0_i32_1 = arith.constant 0 : i32
    return %c0_i32, %arg0, %c0_i32_0 : i32, i32, i32
  }
  func.func @transform_1(%arg0: i32) -> (i32, i32, i32) {
    %c1_i32 = arith.constant 1 : i32
    %c0_i32 = arith.constant 0 : i32
    %c0_i32_0 = arith.constant 0 : i32
    return %c1_i32, %arg0, %c0_i32 : i32, i32, i32
  }
  func.func @transform_2(%arg0: i32) -> (i32, i32) {
    %c0_i32 = arith.constant 0 : i32
    %c0_i32_0 = arith.constant 0 : i32
    return %arg0, %c0_i32 : i32, i32
  }
  func.func @transform_3(%arg0: i32) -> (i32, i32) {
    %c0_i32 = arith.constant 0 : i32
    %c0_i32_0 = arith.constant 0 : i32
    return %arg0, %c0_i32 : i32, i32
  }
  func.func @transform_4(%arg0: i32) -> (i32, i32) {
    %c0_i32 = arith.constant 0 : i32
    %c0_i32_0 = arith.constant 0 : i32
    %c0_i32_1 = arith.constant 0 : i32
    return %c0_i32, %c0_i32_0 : i32, i32
  }
  func.func @transform_5(%arg0: i32) -> (i32, i32) {
    %c0_i32 = arith.constant 0 : i32
    %c0_i32_0 = arith.constant 0 : i32
    %c0_i32_1 = arith.constant 0 : i32
    return %c0_i32, %c0_i32_0 : i32, i32
  }
  func.func @transform_6(%arg0: i32) -> (i32, i32) {
    %c0_i32 = arith.constant 0 : i32
    %c0_i32_0 = arith.constant 0 : i32
    return %arg0, %c0_i32 : i32, i32
  }
  func.func @transform_7(%arg0: i32) -> (i32, i32) {
    %c0_i32 = arith.constant 0 : i32
    %c0_i32_0 = arith.constant 0 : i32
    return %arg0, %c0_i32 : i32, i32
  }
}

module attributes {stable_mosaic.version = 14 : i64} {
  func.func @body(%arg0: i32, %arg1: memref<1x2000x128xf32, #tpu.memory_space<vmem>>, %arg2: memref<1x2000x128xf32, #tpu.memory_space<vmem>>, %arg3: memref<2000x128xf32, #tpu.memory_space<vmem>>, %arg4: memref<2000x1xf32, #tpu.memory_space<vmem>>, %arg5: memref<1x128xf32, #tpu.memory_space<vmem>>, %arg6: memref<2000x128xf32, #tpu.memory_space<vmem>>) attributes {dimension_semantics = [#tpu.dimension_semantics<arbitrary>], iteration_bounds = array<i64: 5>, scalar_prefetch = 0 : i64, scratch_operands = 0 : i64, tpu.core_type = #tpu.core_type<tc>, window_params = [{transform_indices = @transform_0, window_bounds = array<i64: 1, 2000, 128>}, {transform_indices = @transform_1, window_bounds = array<i64: 1, 2000, 128>}, {transform_indices = @transform_2, window_bounds = array<i64: 2000, 128>}, {transform_indices = @transform_3, window_bounds = array<i64: 2000, 1>}, {pipeline_mode = #tpu.pipeline_mode<synchronous>, transform_indices = @transform_4, window_bounds = array<i64: 1, 128>}, {transform_indices = @transform_5, window_bounds = array<i64: 2000, 128>}]} {
    %get3A = arith.constant 0 : index
    %get3A_0 = arith.constant 0 : index
    %get3A_1 = vector.load %arg4[%get3A, %get3A_0] : memref<2000x1xf32, #tpu.memory_space<vmem>>, vector<2000x1xf32>
    %get3A_2 = arith.constant 0 : index
    %get3A_3 = arith.constant 0 : index
    %get3A_4 = arith.constant 0 : index
    %get3A_5 = vector.load %arg1[%get3A_2, %get3A_3, %get3A_4] : memref<1x2000x128xf32, #tpu.memory_space<vmem>>, vector<1x2000x128xf32>
    %get3A_6 = vector.shape_cast %get3A_5 : vector<1x2000x128xf32> to vector<2000x128xf32>
    %get3A_7 = arith.constant 0 : index
    %get3A_8 = arith.constant 0 : index
    %get3A_9 = arith.constant 0 : index
    %get3A_10 = vector.load %arg2[%get3A_7, %get3A_8, %get3A_9] : memref<1x2000x128xf32, #tpu.memory_space<vmem>>, vector<1x2000x128xf32>
    %get3A_11 = vector.shape_cast %get3A_10 : vector<1x2000x128xf32> to vector<2000x128xf32>
    %add3A = arith.addf %get3A_6, %get3A_11 : vector<2000x128xf32>
    %mul3A = vector.broadcast %get3A_1 : vector<2000x1xf32> to vector<2000x128xf32>
    %mul3A_12 = arith.mulf %mul3A, %add3A : vector<2000x128xf32>
    %mul3A_13 = arith.mulf %get3A_1, %get3A_1 : vector<2000x1xf32>
    %get3A_14 = arith.constant 0 : index
    %get3A_15 = arith.constant 0 : index
    %get3A_16 = vector.load %arg3[%get3A_14, %get3A_15] : memref<2000x128xf32, #tpu.memory_space<vmem>>, vector<2000x128xf32>
    %mul3A_17 = vector.broadcast %mul3A_13 : vector<2000x1xf32> to vector<2000x128xf32>
    %mul3A_18 = arith.mulf %mul3A_17, %get3A_16 : vector<2000x128xf32>
    %add3A_19 = arith.addf %mul3A_12, %mul3A_18 : vector<2000x128xf32>
    %get3A_20 = arith.constant 0 : index
    %get3A_21 = arith.constant 0 : index
    %get3A_22 = vector.load %arg5[%get3A_20, %get3A_21] : memref<1x128xf32, #tpu.memory_space<vmem>>, vector<1x128xf32>
    %add3A_23 = vector.broadcast %get3A_22 : vector<1x128xf32> to vector<2000x128xf32>
    %add3A_24 = arith.addf %add3A_19, %add3A_23 : vector<2000x128xf32>
    %swap3A = arith.constant 0 : index
    %swap3A_25 = arith.constant 0 : index
    %swap3A_26 = vector.load %arg6[%swap3A, %swap3A_25] : memref<2000x128xf32, #tpu.memory_space<vmem>>, vector<2000x128xf32>
    tpu.vector_store %arg6[%swap3A, %swap3A_25], %add3A_24 {strides = array<i32>} : memref<2000x128xf32, #tpu.memory_space<vmem>>, vector<2000x128xf32>,
    return
  }
  func.func @transform_0(%arg0: i32) -> (i32, i32, i32) {
    %c0_i32 = arith.constant 0 : i32
    %c0_i32_0 = arith.constant 0 : i32
    %c0_i32_1 = arith.constant 0 : i32
    return %c0_i32, %arg0, %c0_i32_0 : i32, i32, i32
  }
  func.func @transform_1(%arg0: i32) -> (i32, i32, i32) {
    %c1_i32 = arith.constant 1 : i32
    %c0_i32 = arith.constant 0 : i32
    %c0_i32_0 = arith.constant 0 : i32
    return %c1_i32, %arg0, %c0_i32 : i32, i32, i32
  }
  func.func @transform_2(%arg0: i32) -> (i32, i32) {
    %c0_i32 = arith.constant 0 : i32
    %c0_i32_0 = arith.constant 0 : i32
    return %arg0, %c0_i32 : i32, i32
  }
  func.func @transform_3(%arg0: i32) -> (i32, i32) {
    %c0_i32 = arith.constant 0 : i32
    %c0_i32_0 = arith.constant 0 : i32
    return %arg0, %c0_i32 : i32, i32
  }
  func.func @transform_4(%arg0: i32) -> (i32, i32) {
    %c0_i32 = arith.constant 0 : i32
    %c0_i32_0 = arith.constant 0 : i32
    %c0_i32_1 = arith.constant 0 : i32
    return %c0_i32, %c0_i32_0 : i32, i32
  }
  func.func @transform_5(%arg0: i32) -> (i32, i32) {
    %c0_i32 = arith.constant 0 : i32
    %c0_i32_0 = arith.constant 0 : i32
    return %arg0, %c0_i32 : i32, i32
  }
}

</mosaic_0001>

<sc_bundles>
// kernel: kernel.11.cloned.1.call-start
scs
__scs_entry_jumppad:
0x0: {  	(pc) =	sbr.rel $0x88, $3  }
0x1: {  	(tag) =	ssettag $0x0;
	lr =	simm.s32 $0x1  }
0x2: {  	[smem:$0x3F9B] =	sst lr;
	_ =	strace $0xD0000000  }
0x3: {  	_ = 	snop  }
0x4: {  	_ = 	snop  }
0x5: {  	_ = 	snop  }
0x6: {  	_ = 	snop  }
0x7: {  	_ = 	snop  }
__scs_overlays_trampoline_lowered:
0x8: {  	[smem:$0x3FAA] =	sst s0  }
0x9: {  	[smem:$0x3FAB] =	sst s1  }
0xa: {  	[smem:$0x3FAC] =	sst s2  }
0xb: {  	[smem:$0x3FAD] =	sst s3  }
0xc: {  	[smem:$0x3FAE] =	sst s4  }
0xd: {  	[smem:$0x3FAF] =	sst s5  }
0xe: {  	[smem:$0x3FB0] =	sst s6  }
0xf: {  	[smem:$0x3FB1] =	sst s7  }
0x10: {  	[smem:$0x3FB2] =	sst s8  }
0x11: {  	[smem:$0x3FB3] =	sst s9;
	s0 =	simm.s32 @!p0 $0x0  }
0x12: {  	s1 =	sld [smem:$0x3F99];
	s0 =	simm.s32 @p0 $0x1  }
0x13: {  	[smem:$0x3FB4] =	sst s0;
	s0 =	simm.s32 @!p1 $0x0  }
0x14: {  	s2 =	sld [smem:$0x3F98];
	s0 =	simm.s32 @p1 $0x1  }
0x15: {  	[smem:$0x3FB5] =	sst s0;
	s0 =	simm.s32 @!p2 $0x0  }
0x16: {  	s3 =	sld [smem:$0x3FDB];
	s0 =	simm.s32 @p2 $0x1  }
0x17: {  	s4 =	simm.s32 $0x1BF5;
	[smem:$0x3FB7] =	sst s0  }
0x18: {  	s0 =	sld [smem:$0x3F9A];
	_ =	swait.ge [sflag:s4], $0x0  }
0x19: {  	s7 =	sld [smem:$0x3F9B]  }
0x1a: {  	s8 =	sadd.s32 $0xFFFFE003, lr  }
0x1b: {  	s9 =	sadd.s32 $0xFFFFFEF7, lr;
	s5 =	simm.s32 $0xFFFFFFFF;
	p2 =	slt.u32 s8, $0xFFFFF086  }
0x1c: {  	p1 =	slt.u32 s9, $0xF7A;
	s5 =	simm.s32 @!p2 $0x0  }
0x1d: {  	s5 =	simm.s32 @p1 $0x1;
	p0 =	seq.s32 s7, s2  }
0x1e: {  	s7 =	smul.u32 @!p0 $0xF7A, s2;
	p2 =	seq.s32 @!p0 s5, $0x0  }
0x1f: {  	s9 =	smul.u32 $0xF7A, s1;
	s8 =	simm.s32 @!p0 $0x1BF5;
	p2 =	por !p2, p0  }
0x20: {  	[sflag:s8] =	ssyncset.s32 @!p0 $0xFFFFF086;
	s6 =	sadd.s32 @!p0 s3, s7;
	s7 =	simm.s32 @!p0 $0x108  }
0x21: {  	s3 =	sadd.s32 s3, s9;
	s6 =	sadd.s32 @!p0 $0x88, s6;
	s7 =	simm.s32 @p2 $0x1082  }
0x22: {  	[simem:s7], [sflag:s8] =	dma.local @!p0 [hbm:s6], $0xF7A  }
0x23: {  	s9 =	sor.u32 $0xD0000000, s2;
	s6 =	simm.s32 $0x108;
	_ =	swait.ge @!p0 [sflag:s8], $0x0  }
0x24: {  	s3 =	sadd.s32 $0x88, s3;
	s6 =	simm.s32 @!p1 $0x1082;
	[sflag:s4] =	ssyncset.s32 $0xFFFFF086  }
0x25: {  	[simem:s6], [sflag:s4] =	dma.local [hbm:s3], $0xF7A  }
0x26: {  	[smem:$0x3F9B] =	sst s1;
	(tag) =	ssettag s2;
	_ =	strace s9  }
0x27: {  	s1 =	sld [smem:$0x3FAB]  }
0x28: {  	s2 =	sld [smem:$0x3FAC]  }
0x29: {  	s4 =	sld [smem:$0x3FAE]  }
0x2a: {  	p0 =	seq.s32 s5, $0x0;
	s5 =	sld [smem:$0x3FAF]  }
0x2b: {  	s6 =	sld [smem:$0x3FB0]  }
0x2c: {  	s7 =	sld [smem:$0x3FB1]  }
0x2d: {  	s3 =	simm.s32 $0x108;
	s8 =	sld [smem:$0x3FB2]  }
0x2e: {  	s3 =	simm.s32 @!p0 $0x1082;
	s9 =	sld [smem:$0x3FB3]  }
0x2f: {  	lr =	sadd.s32 s0, s3;
	s0 =	sld [smem:$0x3FAA]  }
0x30: {  	s3 =	sld [smem:$0x3FAD]  }
0x31: {  	[smem:$0x3FB6] =	sst s10  }
0x32: {  	s10 =	sld [smem:$0x3FB4];
	_ =	sdelay $0x3  }
0x33: {  	p0 =	seq.s32 s10, $0x1;
	s10 =	sld [smem:$0x3FB6];
	_ =	sdelay $0x3  }
0x34: {  	[smem:$0x3FB6] =	sst s10  }
0x35: {  	s10 =	sld [smem:$0x3FB5];
	_ =	sdelay $0x3  }
0x36: {  	p1 =	seq.s32 s10, $0x1;
	s10 =	sld [smem:$0x3FB6];
	_ =	sdelay $0x3  }
0x37: {  	[smem:$0x3FB6] =	sst s10  }
0x38: {  	s10 =	sld [smem:$0x3FB7]  }
0x39: {  	_ = 	snop;
	(pc) =	sbr.ind lr, $3  }
0x3a: {  	_ = 	snop  }
0x3b: {  	_ = 	snop  }
0x3c: {  	p2 =	seq.s32 s10, $0x1;
	s10 =	sld [smem:$0x3FB6]  }
0x3d: {  	_ =	shalt  }
0x3e: {  	_ =	shalt  }
0x3f: {  	_ =	shalt  }
0x40: {  	_ =	shalt  }
0x41: {  	_ =	shalt  }
0x42: {  	_ =	shalt  }
0x43: {  	_ =	shalt  }
0x44: {  	_ =	shalt  }
0x45: {  	_ =	shalt  }
0x46: {  	_ =	shalt  }
0x47: {  	_ =	shalt  }
0x48: {  	_ =	shalt  }
0x49: {  	_ =	shalt  }
0x4a: {  	_ =	shalt  }
0x4b: {  	_ =	shalt  }
0x4c: {  	_ =	shalt  }
0x4d: {  	_ =	shalt  }
0x4e: {  	_ =	shalt  }
0x4f: {  	_ =	shalt  }
0x50: {  	_ =	shalt  }
0x51: {  	_ =	shalt  }
0x52: {  	_ =	shalt  }
0x53: {  	_ =	shalt  }
0x54: {  	_ =	shalt  }
0x55: {  	_ =	shalt  }
0x56: {  	_ =	shalt  }
0x57: {  	_ =	shalt  }
0x58: {  	_ =	shalt  }
0x59: {  	_ =	shalt  }
0x5a: {  	_ =	shalt  }
0x5b: {  	_ =	shalt  }
0x5c: {  	_ =	shalt  }
0x5d: {  	_ =	shalt  }
0x5e: {  	_ =	shalt  }
0x5f: {  	_ =	shalt  }
0x60: {  	_ =	shalt  }
0x61: {  	_ =	shalt  }
0x62: {  	_ =	shalt  }
0x63: {  	_ =	shalt  }
0x64: {  	_ =	shalt  }
0x65: {  	_ =	shalt  }
0x66: {  	_ =	shalt  }
0x67: {  	_ =	shalt  }
0x68: {  	_ =	shalt  }
0x69: {  	_ =	shalt  }
0x6a: {  	_ =	shalt  }
0x6b: {  	_ =	shalt  }
0x6c: {  	_ =	shalt  }
0x6d: {  	_ =	shalt  }
0x6e: {  	_ =	shalt  }
0x6f: {  	_ =	shalt  }
0x70: {  	_ =	shalt  }
0x71: {  	_ =	shalt  }
0x72: {  	_ =	shalt  }
0x73: {  	_ =	shalt  }
0x74: {  	_ =	shalt  }
0x75: {  	_ =	shalt  }
0x76: {  	_ =	shalt  }
0x77: {  	_ =	shalt  }
0x78: {  	_ =	shalt  }
0x79: {  	_ =	shalt  }
0x7a: {  	_ =	shalt  }
0x7b: {  	_ =	shalt  }
0x7c: {  	_ =	shalt  }
0x7d: {  	_ =	shalt  }
0x7e: {  	_ =	shalt  }
0x7f: {  	_ =	shalt  }
0x80: {  	_ =	shalt  }
0x81: {  	_ =	shalt  }
0x82: {  	_ =	shalt  }
0x83: {  	_ =	shalt  }
0x84: {  	_ =	shalt  }
0x85: {  	_ =	shalt  }
0x86: {  	_ =	shalt  }
0x87: {  	_ =	shalt  }
.Lfunc_end0:
.L_simem_size_0:
called_computation.1_lowered:
.L_overlay_start_0:
0x88: {  	s2 =	sld [smem:$0x3FD9]  }
0x89: {  	s3 =	sld [smem:$0x3FFE];
	_ =	sdelay $0x1  }
0x8a: {  	s1 =	srdreg.scid  }
0x8b: {  	s0 =	sand.u32 $0x1, s1  }
0x8c: {  	s17 =	sshll.u32 s0, $0xA;
	s2 =	sadd.s32 s3, s2  }
0x8d: {  	s2 =	sadd.s32 s2, s17  }
0x8e: {  	[smem:$0x3FC2] =	sst s2  }
0x8f: {  	_ = 	snop  }
0x90: {  	s2 =	sld [smem:$0x3FD0];
	(tm) =	ssettm $0x1  }
0x91: {  	s18 =	sld [smem:$0x3FFB];
	_ =	sdelay $0x3  }
0x92: {  	_ =	strace s18  }
0x93: {  	s3 =	sld [smem:$0x3FFC];
	_ =	sdelay $0x3  }
0x94: {  	_ =	strace s3  }
0x95: {  	s3 =	sld [smem:$0x3FFD];
	_ =	sdelay $0x3  }
0x96: {  	_ =	strace s3  }
0x97: {  	_ =	strace $0x8FFFFFFF  }
0x98: {  	s19 =	sld [smem:$0x3FDB];
	_ =	sdelay $0x1  }
0x99: {  	s4 =	simm.s32 $_scs_section_size  }
0x9a: {  	s5 =	simm.s32 $_size__tile_overlayer_lowered;
	s6 =	simm.s32 $_tile_overlayer_lowered  }
0x9b: {  	s22 =	simm.s32 $0x1BFF;
	s21 =	sshll.u32 s6, $0x1;
	s3 =	sadd.s32 s4, s19  }
0x9c: {  	s7 =	simm.s32 $0x0;
	s20 =	sshll.u32 s5, $0x1;
	s5 =	sadd.s32 s21, s3  }
0x9d: {  	[timem:s7], [sflag:s22] =	dma.local [hbm:s5], s20  }
0x9e: {  	_ =	swait.ge [sflag:s22], s20  }
0x9f: {  	s4 =	ssub.s32 $0x0, s20;
	[sflag:s22] =	ssyncset.done $0x0  }
0xa0: {  	[sflag:s22] =	ssyncadd.s32 s4;
	_ =	sdelay $0x1  }
0xa1: {  	s23 =	simm.s32 $0x1B8B  }
0xa2: {  	_ =	swait.ge [sflag:s23], $0x1  }
0xa3: {  	[sflag:s23] =	ssyncset.done $0x0  }
0xa4: {  	s25 =	simm.s32 $0x1B8E;
	s24 =	sld [smem:$0x3FFE];
	[sflag:s23] =	ssyncadd.s32 $0xFFFFFFFF  }
0xa5: {  	s26 =	simm.s32 $execute0_lowered;
	[smem:$0x3FD2] =	sst s25  }
0xa6: {  	s5 =	sshll.u32 s26, $0x1;
	_ =	strace $0x80000049;
	[dreg:$0x1] =	wrdreg $0xFFFFFFFF  }
0xa7: {  	s28 =	simm.s32 $_size_execute0_lowered;
	s3 =	sadd.s32 s3, s5;
	[dreg:$0x0] =	wrdreg $0x0  }
0xa8: {  	s5 =	sshll.u32 s28, $0x1;
	[dreg:$0x2] =	wrdreg s3  }
0xa9: {  	[dreg:$0x3] =	wrdreg s5  }
0xaa: {  	[dreg:$0x4] =	wrdreg $0xC0  }
0xab: {  	_ =	task [dreg:s7], $0x5FFFF  }
0xac: {  	[dreg:$0x1] =	wrdreg $0xFFFFFFFF  }
0xad: {  	[dreg:$0x0] =	wrdreg $0x60  }
0xae: {  	[dreg:$0x2] =	wrdreg s2  }
0xaf: {  	[dreg:$0x3] =	wrdreg s24  }
0xb0: {  	[dreg:$0x4] =	wrdreg $0xA4000  }
0xb1: {  	[dreg:$0x5] =	wrdreg $0x9  }
0xb2: {  	_ =	task.clear_ibuf [dreg:s7], $0x6FFFF;
	_ =	strace $0x90000049  }
0xb3: {  	s29 =	simm.s32 $0x9;
	_ =	strace $0x8000004B  }
0xb4: {  	_ =	swait.ge [sflag:s29], $0x1  }
0xb5: {  	[sflag:s29] =	ssyncadd.s32 $0xFFFFFFFF  }
0xb6: {  	_ =	strace $0x9000004B  }
0xb7: {  	_ =	sfence  }
0xb8: {  	s30 =	sld [smem:$0x0];
	_ =	sdelay $0x2  }
0xb9: {  	s31 =	sshll.u32 s1, $0xD;
	s1 =	sshrl.u32 s1, $0x2  }
0xba: {  	s3 =	sand.u32 $0x4000, s31;
	s1 =	sadd.s32 s1, s30  }
0xbb: {  	s0 =	sor.u32 s3, s0;
	s1 =	sshll.u32 s1, $0x11  }
0xbc: {  	s0 =	sor.u32 s1, s0  }
0xbd: {  	s0 =	sadd.s32 $0x8F2B, s0  }
0xbe: {  	[sflag:s0] =	ssyncadd.remote.s32 $0x1  }
0xbf: {  	_ =	sfence.sel $0xFFFF  }
0xc0: {  	[dreg:$0x0] =	wrdreg $0xFFFFFFFF;
	(pc) =	sbr.abs _section_cstart, $3  }
0xc1: {  	[dreg:$0x1] =	wrdreg $0xFFFFFFFF  }
0xc2: {  	_ =	task.clear_ibuf [dreg:s7], $0x2FFFF;
	_ =	strace $0x9FFFFFFF  }
0xc3: {  	(tm) =	ssettm $0x7FFFFFFF  }
tec
execute0_lowered:
.L_overlay_start_1:
0x0: {  	(tag) =	ssettag $0x1  }
0x1: {  	s2 =	rddreg [dreg:$0x0]  }
0x2: {  	s0 =	rddreg [dreg:$0x1]  }
0x3: {  	s3 =	rddreg [dreg:$0x2]  }
0x4: {  	s10 =	stileid.u32;
	s1 =	srdreg.scid  }
0x5: {  	s4 =	simm.s32 $0x0;
	s28 =	simm.s32 $0x400;
	s29 =	simm.s32 $0x80  }
0x6: {  	s30 =	simm.s32 $0x6;
	s31 =	simm.s32 $0x280;
	s5 =	smul.u32 $0x2800, s10  }
0x7: {  	s1 =	sand.u32 $0x1, s1;
	[smem:$0x7FF] =	sst s4;
	s8 =	smul.u32 $0x50000, s10  }
0x8: {  	s11 =	sadd.s32 $0x2000, s0;
	s12 =	sadd.s32 $0xBE00, s0;
	s15 =	smul.u32 $0x2710, s10  }
0x9: {  	s13 =	sshll.u32 s10, $0x6;
	s6 =	smul.u32 $0x28000, s1;
	_ =	strace $0x8000004A  }
0xa: {  	s23 =	ssub.s32 $0x2, s1;
	s9 =	sshll.u32 s1, $0x4;
	s1 =	smul.u32 $0x27100, s1  }
0xb: {  	s18 =	sor.u32 $0x1C0D, s13;
	s13 =	simm.s32 $0x180;
	s7 =	sadd.s32 s5, s0  }
0xc: {  	s24 =	sshrl.u32 s23, $0x1;
	s9 =	sor.u32 s10, s9;
	s25 =	sshrl.u32 s8, $0x2  }
0xd: {  	s8 =	simm.s32 $0x300;
	s10 =	simm.s32 $0x7;
	[dreg:$0x6] =	wrdreg s18  }
0xe: {  	s5 =	sadd.s32 s5, s6;
	s26 =	smul.u32 $0x2710, s9;
	s6 =	sadd.s32 s25, s3  }
0xf: {  	s9 =	sadd.s32 $0x15C00, s7;
	s1 =	sadd.s32 s15, s1;
	s15 =	simm.s32 $0x8  }
0x10: {  	s0 =	sadd.s32 s5, s0;
	s5 =	ssub.s32 s23, s24;
	[dreg:$0x4] =	wrdreg s6  }
0x11: {  	[dreg:$0x5] =	wrdreg s9;
	s20 =	sadd.s32 $0x190, s1;
	s21 =	sadd.s32 $0x140, s1  }
0x12: {  	s23 =	sadd.s32 $0xF0, s1;
	s1 =	sadd.s32 $0xA0, s1;
	s9 =	simm.s32 $0x3  }
0x13: {  	s14 =	sshrl.u32 s26, $0x3;
	s0 =	sadd.s32 $0x3DC00, s0;
	s5 =	smax.u32 s5, $0x1  }
0x14: {  	[dreg:$0xd] =	wrdreg s21;
	s24 =	sshrl.u32 s23, $0x3;
	s1 =	sshrl.u32 s1, $0x3  }
0x15: {  	s21 =	smov.u32 s11;
	s23 =	simm.s32 $0x9;
	[dreg:$0xb] =	wrdreg s0  }
0x16: {  	s16 =	sadd.s32 s11, s14;
	s17 =	sadd.s32 $0xA, s14;
	[dreg:$0xc] =	wrdreg s5  }
0x17: {  	s7 =	sadd.s32 s12, s14;
	s0 =	sshrl.u32 s20, $0x3;
	[dreg:$0x7] =	wrdreg s16  }
0x18: {  	s5 =	sadd.s32 s24, s12;
	s25 =	sadd.s32 s1, s12;
	[dreg:$0x8] =	wrdreg s7  }
0x19: {  	s26 =	sadd.s32 s1, s11;
	s1 =	simm.s32 $0x1;
	[dreg:$0x10] =	wrdreg s5  }
0x1a: {  	s14 =	simm.s32 $0x380;
	s20 =	simm.s32 $0x0;
	[dreg:$0x12] =	wrdreg s25  }
0x1b: {  	s19 =	sadd.s32 s11, s17;
	s6 =	sadd.s32 s12, s17;
	[dreg:$0x13] =	wrdreg s26  }
0x1c: {  	s22 =	sadd.s32 s0, s12;
	s0 =	sadd.s32 s0, s11;
	[dreg:$0x9] =	wrdreg s19  }
0x1d: {  	s25 =	simm.s32 $0x200;
	s26 =	simm.s32 $0x50;
	[dreg:$0xa] =	wrdreg s6  }
.Ltmp0:
0x1e: {  	s7 =	simm.s32 $0x100;
	[dreg:$0xe] =	wrdreg s22;
	(pc) =	sbr.rel .LBB2_1-.Ltmp0, $4  }
0x1f: {  	s16 =	simm.s32 $0x7C00;
	s5 =	simm.s32 $0x4;
	[dreg:$0xf] =	wrdreg s0  }
0x20: {  	s0 =	sadd.s32 s24, s11;
	s22 =	smov.u32 s12;
	s19 =	simm.s32 $0xD  }
0x21: {  	s24 =	simm.s32 $0x5;
	s11 =	simm.s32 $0x5400;
	s12 =	simm.s32 $0x2  }
0x22: {  	s6 =	simm.s32 $0xA;
	[dreg:$0x11] =	wrdreg s0;
	s0 =	simm.s32 $0x2C00  }
.LBB2_4:
0x23: {  	[spmem:s3] =	stream.indirect.scatter.add.f32 [tilespmem:s16], [sflag:$0xC], $0x80, s14, s26, $0xb8;
	[tilespmem:$0x1E400] =	vst v63  }
0x24: {  	_ =	swait.ge [sflag:s1], $0x2800  }
0x25: {  	[sflag:s1] =	ssyncset.done $0x0  }
0x26: {  	[sflag:s1] =	ssyncadd.s32 $0xFFFFD800  }
0x27: {  	[spmem:s3] =	stream.indirect.scatter.add.f32 [tilespmem:s28], [sflag:$0x9], $0x80, s25, s26, $0xb8;
	[tilespmem:$0x1E400] =	vst v63  }
0x28: {  	_ =	swait.ge [sflag:s6], $0x2800  }
0x29: {  	[sflag:s6] =	ssyncset.done $0x0  }
0x2a: {  	s17 =	simm.s32 $0xB;
	[sflag:s6] =	ssyncadd.s32 $0xFFFFD800  }
0x2b: {  	_ =	swait.ge [sflag:s17], $0x2800  }
0x2c: {  	[sflag:s17] =	ssyncset.done $0x0  }
0x2d: {  	s19 =	simm.s32 $0xC;
	[sflag:s17] =	ssyncadd.s32 $0xFFFFD800  }
0x2e: {  	_ =	swait.ge [sflag:s19], $0x2800  }
0x2f: {  	[sflag:s19] =	ssyncset.done $0x0  }
0x30: {  	[sflag:s19] =	ssyncadd.s32 $0xFFFFD800  }
0x31: {  	_ =	swait.ge [sflag:s23], $0x2800  }
0x32: {  	[sflag:s23] =	ssyncset.done $0x0  }
0x33: {  	[sflag:s23] =	ssyncadd.s32 $0xFFFFD800  }
0x34: {  	[bflag:$0x0] =	sbarrier.arrive $0xFFFF  }
0x35: {  	s18 =	rddreg [dreg:$0x6]  }
0x36: {  	s20 =	rddreg [dreg:$0xb]  }
0x37: {  	s19 =	rddreg [dreg:$0x15]  }
0x38: {  	[hbm:s20], [sflag:s18] =	dma.local [spmem:s19], $0x2800  }
0x39: {  	s19 =	simm.s32 $0xD  }
0x3a: {  	_ =	swait.ge [sflag:s19], $0x2800  }
0x3b: {  	s20 =	rddreg [dreg:$0x14]  }
0x3c: {  	s17 =	rddreg [dreg:$0xc];
	s20 =	sadd.s32 $0x1, s20  }
0x3d: {  	p0 =	sne.s32 s20, s17  }
.Ltmp1:
0x3e: {  	_ = 	snop;
	(pc) =	sbr.rel @!p0 .LBB2_5-.Ltmp1, $3  }
0x3f: {  	_ =	sdelay $0x1  }
0x40: {  	[sflag:s19] =	ssyncset.done $0x0  }
0x41: {  	[sflag:s19] =	ssyncadd.s32 $0xFFFFD800  }
.LBB2_1:
0x42: {  	[dreg:$0x14] =	wrdreg s20  }
0x43: {  	s17 =	rddreg [dreg:$0x4]  }
0x44: {  	s20 =	sshrl.u32 s17, $0x3;
	s17 =	rddreg [dreg:$0x5]  }
0x45: {  	[dreg:$0x15] =	wrdreg s20  }
0x46: {  	[spmem:s20], [sflag:s18] =	dma.local [hbm:s17], $0x2800  }
0x47: {  	_ =	swait.ge [sflag:s19], $0x2800  }
0x48: {  	[sflag:s19] =	ssyncset.done $0x0  }
0x49: {  	[sflag:s19] =	ssyncadd.s32 $0xFFFFD800  }
0x4a: {  	[bflag:$0x0] =	sbarrier.arrive $0xFFFF  }
0x4b: {  	s20 =	rddreg [dreg:$0x7]  }
0x4c: {  	[tilespmem:s4], [sflag:$0x5] =	stream.linear.gather [hbm4b:s20+s4], $0x50, $0x38;
	[tilespmem:$0x1E400] =	vst v63  }
0x4d: {  	_ =	swait.ge [sflag:s24], $0x50  }
0x4e: {  	[sflag:s24] =	ssyncset.done $0x0  }
0x4f: {  	s18 =	rddreg [dreg:$0x8];
	[sflag:s24] =	ssyncadd.s32 $0xFFFFFFB0  }
0x50: {  	[tilespmem:s25], [sflag:$0x5] =	stream.linear.gather [hbm4b:s18+s4], $0x50, $0x38;
	[tilespmem:$0x1E400] =	vst v63  }
0x51: {  	_ =	swait.ge [sflag:s24], $0x50  }
0x52: {  	[sflag:s24] =	ssyncset.done $0x0  }
0x53: {  	[sflag:s24] =	ssyncadd.s32 $0xFFFFFFB0  }
0x54: {  	[tilespmem:s28], [sflag:$0x1] =	stream.indirect.gather [hbm4b:s2+s26], $0x80, s4, s26, $0xb8;
	[tilespmem:$0x1E400] =	vst v63  }
0x55: {  	s19 =	rddreg [dreg:$0x9]  }
0x56: {  	[tilespmem:s29], [sflag:$0x6] =	stream.linear.gather [hbm4b:s19+s4], $0x50, $0x38;
	[tilespmem:$0x1E400] =	vst v63  }
0x57: {  	_ =	swait.ge [sflag:s30], $0x50  }
0x58: {  	[sflag:s30] =	ssyncset.done $0x0  }
0x59: {  	s20 =	rddreg [dreg:$0xa];
	[sflag:s30] =	ssyncadd.s32 $0xFFFFFFB0  }
0x5a: {  	[tilespmem:s31], [sflag:$0x6] =	stream.linear.gather [hbm4b:s20+s4], $0x50, $0x38;
	[tilespmem:$0x1E400] =	vst v63  }
0x5b: {  	_ =	swait.ge [sflag:s30], $0x50  }
0x5c: {  	[sflag:s30] =	ssyncset.done $0x0  }
0x5d: {  	s18 =	simm.s32 $0x0;
	s17 =	rddreg [dreg:$0xd];
	[sflag:s30] =	ssyncadd.s32 $0xFFFFFFB0  }
0x5e: {  	[tilespmem:s0], [sflag:$0x2] =	stream.indirect.gather [hbm4b:s2+s26], $0x80, s29, s26, $0xb8;
	[tilespmem:$0x1E400] =	vst v63  }
.LBB2_2:
0x5f: {  	_ =	swait.ge [sflag:s1], $0x2800  }
0x60: {  	p0 =	seq.s32 s18, $0x0;
	[sflag:s1] =	ssyncset.done $0x0  }
0x61: {  	s19 =	simm.s32 @!p0 $0xB;
	[sflag:s1] =	ssyncadd.s32 $0xFFFFD800  }
0x62: {  	_ =	swait.ge @!p0 [sflag:s19], $0x2800  }
0x63: {  	[sflag:s19] =	ssyncset.done @!p0 $0x0;
	s20 =	rddreg [dreg:$0x13]  }
0x64: {  	[sflag:s19] =	ssyncadd.s32 @!p0 $0xFFFFD800;
	s19 =	sadd.s32 s18, s20;
	s20 =	rddreg [dreg:$0x12]  }
0x65: {  	[tilespmem:s7], [sflag:$0x7] =	stream.linear.gather [hbm4b:s19+s4], $0x50, $0x38;
	[tilespmem:$0x1E400] =	vst v63  }
0x66: {  	s19 =	sadd.s32 s18, s20  }
0x67: {  	[tilespmem:s8], [sflag:$0x7] =	stream.linear.gather [hbm4b:s19+s4], $0x50, $0x38;
	[tilespmem:$0x1E400] =	vst v63  }
0x68: {  	_ = 	snop  }
0x69: {  	[spmem:s3] =	stream.indirect.scatter.add.f32 [tilespmem:s28], [sflag:$0x9], $0x80, s25, s26, $0xb8;
	[tilespmem:$0x1E400] =	vst v63  }
0x6a: {  	_ =	swait.ge [sflag:s10], $0x50  }
0x6b: {  	[sflag:s10] =	ssyncset.done $0x0  }
0x6c: {  	[sflag:s10] =	ssyncadd.s32 $0xFFFFFFB0  }
0x6d: {  	_ =	swait.ge [sflag:s10], $0x50  }
0x6e: {  	[sflag:s10] =	ssyncset.done $0x0  }
0x6f: {  	[sflag:s10] =	ssyncadd.s32 $0xFFFFFFB0  }
0x70: {  	[tilespmem:s11], [sflag:$0x3] =	stream.indirect.gather [hbm4b:s2+s26], $0x80, s7, s26, $0xb8;
	[tilespmem:$0x1E400] =	vst v63  }
0x71: {  	_ =	swait.ge [sflag:s12], $0x2800  }
0x72: {  	[sflag:s12] =	ssyncset.done $0x0  }
0x73: {  	s19 =	simm.s32 @!p0 $0xC;
	[sflag:s12] =	ssyncadd.s32 $0xFFFFD800  }
0x74: {  	_ =	swait.ge @!p0 [sflag:s19], $0x2800  }
0x75: {  	[sflag:s19] =	ssyncset.done @!p0 $0x0;
	s20 =	rddreg [dreg:$0x11]  }
0x76: {  	[sflag:s19] =	ssyncadd.s32 @!p0 $0xFFFFD800;
	s19 =	sadd.s32 s18, s20;
	s20 =	rddreg [dreg:$0x10]  }
0x77: {  	[tilespmem:s13], [sflag:$0x8] =	stream.linear.gather [hbm4b:s19+s4], $0x50, $0x38;
	[tilespmem:$0x1E400] =	vst v63  }
0x78: {  	s19 =	sadd.s32 s18, s20  }
0x79: {  	[tilespmem:s14], [sflag:$0x8] =	stream.linear.gather [hbm4b:s19+s4], $0x50, $0x38;
	[tilespmem:$0x1E400] =	vst v63  }
0x7a: {  	_ = 	snop  }
0x7b: {  	[spmem:s3] =	stream.indirect.scatter.add.f32 [tilespmem:s0], [sflag:$0xA], $0x80, s31, s26, $0xb8;
	[tilespmem:$0x1E400] =	vst v63  }
0x7c: {  	_ =	swait.ge [sflag:s15], $0x50  }
0x7d: {  	[sflag:s15] =	ssyncset.done $0x0  }
0x7e: {  	[sflag:s15] =	ssyncadd.s32 $0xFFFFFFB0  }
0x7f: {  	_ =	swait.ge [sflag:s15], $0x50  }
0x80: {  	[sflag:s15] =	ssyncset.done $0x0  }
0x81: {  	[sflag:s15] =	ssyncadd.s32 $0xFFFFFFB0  }
0x82: {  	[tilespmem:s16], [sflag:$0x4] =	stream.indirect.gather [hbm4b:s2+s26], $0x80, s13, s26, $0xb8;
	[tilespmem:$0x1E400] =	vst v63  }
0x83: {  	_ =	swait.ge [sflag:s9], $0x2800  }
0x84: {  	[sflag:s9] =	ssyncset.done $0x0  }
0x85: {  	[sflag:s9] =	ssyncadd.s32 $0xFFFFD800  }
0x86: {  	_ =	swait.ge [sflag:s23], $0x2800  }
0x87: {  	s19 =	sshrl.u32 s17, $0x3;
	[sflag:s23] =	ssyncset.done $0x0  }
0x88: {  	s20 =	sadd.s32 s21, s19;
	[sflag:s23] =	ssyncadd.s32 $0xFFFFD800  }
0x89: {  	[tilespmem:s4], [sflag:$0x5] =	stream.linear.gather [hbm4b:s20+s4], $0x50, $0x38;
	[tilespmem:$0x1E400] =	vst v63  }
0x8a: {  	s19 =	sadd.s32 s22, s19  }
0x8b: {  	[tilespmem:s25], [sflag:$0x5] =	stream.linear.gather [hbm4b:s19+s4], $0x50, $0x38;
	[tilespmem:$0x1E400] =	vst v63  }
0x8c: {  	_ = 	snop  }
0x8d: {  	[spmem:s3] =	stream.indirect.scatter.add.f32 [tilespmem:s11], [sflag:$0xB], $0x80, s8, s26, $0xb8;
	[tilespmem:$0x1E400] =	vst v63  }
0x8e: {  	_ =	swait.ge [sflag:s24], $0x50  }
0x8f: {  	[sflag:s24] =	ssyncset.done $0x0  }
0x90: {  	[sflag:s24] =	ssyncadd.s32 $0xFFFFFFB0  }
0x91: {  	_ =	swait.ge [sflag:s24], $0x50  }
0x92: {  	p0 =	seq.s32 s18, $0x4B0;
	[sflag:s24] =	ssyncset.done $0x0  }
.Ltmp2:
0x93: {  	[sflag:s24] =	ssyncadd.s32 $0xFFFFFFB0;
	(pc) =	sbr.rel @p0 .LBB2_4-.Ltmp2, $4  }
0x94: {  	[tilespmem:s28], [sflag:$0x1] =	stream.indirect.gather [hbm4b:s2+s26], $0x80, s4, s26, $0xb8;
	[tilespmem:$0x1E400] =	vst v63  }
0x95: {  	_ =	swait.ge [sflag:s5], $0x2800  }
0x96: {  	[sflag:s5] =	ssyncset.done $0x0  }
0x97: {  	[sflag:s5] =	ssyncadd.s32 $0xFFFFD800  }
0x98: {  	_ =	swait.ge [sflag:s6], $0x2800  }
0x99: {  	[sflag:s6] =	ssyncset.done $0x0;
	s19 =	rddreg [dreg:$0xf]  }
0x9a: {  	s20 =	rddreg [dreg:$0xe];
	[sflag:s6] =	ssyncadd.s32 $0xFFFFD800;
	s19 =	sadd.s32 s18, s19  }
0x9b: {  	[tilespmem:s29], [sflag:$0x6] =	stream.linear.gather [hbm4b:s19+s4], $0x50, $0x38;
	[tilespmem:$0x1E400] =	vst v63  }
0x9c: {  	s19 =	sadd.s32 s18, s20  }
0x9d: {  	[tilespmem:s31], [sflag:$0x6] =	stream.linear.gather [hbm4b:s19+s4], $0x50, $0x38;
	[tilespmem:$0x1E400] =	vst v63  }
0x9e: {  	_ = 	snop  }
0x9f: {  	[spmem:s3] =	stream.indirect.scatter.add.f32 [tilespmem:s16], [sflag:$0xC], $0x80, s14, s26, $0xb8;
	[tilespmem:$0x1E400] =	vst v63  }
0xa0: {  	_ =	swait.ge [sflag:s30], $0x50  }
0xa1: {  	[sflag:s30] =	ssyncset.done $0x0  }
.Ltmp3:
0xa2: {  	[sflag:s30] =	ssyncadd.s32 $0xFFFFFFB0;
	(pc) =	sbr.rel .LBB2_2-.Ltmp3, $4  }
0xa3: {  	_ =	swait.ge [sflag:s30], $0x50  }
0xa4: {  	[sflag:s30] =	ssyncset.done $0x0  }
0xa5: {  	s17 =	sadd.s32 $0x140, s17;
	s18 =	sadd.s32 $0x28, s18;
	[sflag:s30] =	ssyncadd.s32 $0xFFFFFFB0  }
0xa6: {  	[tilespmem:s0], [sflag:$0x2] =	stream.indirect.gather [hbm4b:s2+s26], $0x80, s29, s26, $0xb8;
	[tilespmem:$0x1E400] =	vst v63  }
.LBB2_5:
0xa7: {  	_ =	sfence.sel $0x180000  }
0xa8: {  	[bflag:$0x0] =	sbarrier.arrive $0xFFFF  }
0xa9: {  	_ =	strace $0x9000004A  }
0xaa: {  	s0 =	stileid.u32;
	[bflag:$0x2] =	sbarrier.arrive $0xFFFF  }
0xab: {  	p0 =	sne.s32 s0, $0x0;
	s0 =	rddreg [dreg:$0x3]  }
0xac: {  	s0 =	sadd.s32 @!p0 $0x100000, s0  }
0xad: {  	[sflag:s0] =	ssyncadd.tile.s32 @!p0 $0x1;
	_ =	shalt  }
.Lfunc_end2:
_tile_overlayer_lowered:
.L_overlay_start_2:
0xae: {  	(tag) =	ssettag $0x2  }
0xaf: {  	s0 =	rddreg [dreg:$0x0];
	s2 =	stileid.u32  }
0xb0: {  	s1 =	rddreg [dreg:$0x1];
	p0 =	sne.s32 s2, $0x0  }
0xb1: {  	s3 =	rddreg [dreg:$0x2];
	[bflag:$0x3] =	sbarrier.arrive $0xFFFF;
	s2 =	simm.s32 @!p0 $0x1C0D  }
0xb2: {  	[timem:s3], [sflag:s2] =	dma.local @!p0 [hbm:s0], s1  }
0xb3: {  	s0 =	simm.s32 @!p0 $0xD  }
0xb4: {  	_ =	swait.ge @!p0 [sflag:s0], s1  }
0xb5: {  	s1 =	ssub.s32 @!p0 $0x0, s1;
	[sflag:s0] =	ssyncset.done @!p0 $0x0  }
0xb6: {  	[sflag:s0] =	ssyncadd.s32 @!p0 s1  }
0xb7: {  	[bflag:$0x3] =	sbarrier.arrive $0xFFFF  }
0xb8: {  	_ =	shalt  }

// kernel: kernel.14.cloned.1.call-start
scs
__scs_entry_jumppad:
0x0: {  	(pc) =	sbr.rel $0x88, $3  }
0x1: {  	(tag) =	ssettag $0x0;
	lr =	simm.s32 $0x1  }
0x2: {  	[smem:$0x3F9B] =	sst lr;
	_ =	strace $0xD0000000  }
0x3: {  	_ = 	snop  }
0x4: {  	_ = 	snop  }
0x5: {  	_ = 	snop  }
0x6: {  	_ = 	snop  }
0x7: {  	_ = 	snop  }
__scs_overlays_trampoline_lowered:
0x8: {  	[smem:$0x3FAA] =	sst s0  }
0x9: {  	[smem:$0x3FAB] =	sst s1  }
0xa: {  	[smem:$0x3FAC] =	sst s2  }
0xb: {  	[smem:$0x3FAD] =	sst s3  }
0xc: {  	[smem:$0x3FAE] =	sst s4  }
0xd: {  	[smem:$0x3FAF] =	sst s5  }
0xe: {  	[smem:$0x3FB0] =	sst s6  }
0xf: {  	[smem:$0x3FB1] =	sst s7  }
0x10: {  	[smem:$0x3FB2] =	sst s8  }
0x11: {  	[smem:$0x3FB3] =	sst s9;
	s0 =	simm.s32 @!p0 $0x0  }
0x12: {  	s1 =	sld [smem:$0x3F99];
	s0 =	simm.s32 @p0 $0x1  }
0x13: {  	[smem:$0x3FB4] =	sst s0;
	s0 =	simm.s32 @!p1 $0x0  }
0x14: {  	s2 =	sld [smem:$0x3F98];
	s0 =	simm.s32 @p1 $0x1  }
0x15: {  	[smem:$0x3FB5] =	sst s0;
	s0 =	simm.s32 @!p2 $0x0  }
0x16: {  	s3 =	sld [smem:$0x3FDB];
	s0 =	simm.s32 @p2 $0x1  }
0x17: {  	s4 =	simm.s32 $0x1BF5;
	[smem:$0x3FB7] =	sst s0  }
0x18: {  	s0 =	sld [smem:$0x3F9A];
	_ =	swait.ge [sflag:s4], $0x0  }
0x19: {  	s7 =	sld [smem:$0x3F9B]  }
0x1a: {  	s8 =	sadd.s32 $0xFFFFE003, lr  }
0x1b: {  	s9 =	sadd.s32 $0xFFFFFEF7, lr;
	s5 =	simm.s32 $0xFFFFFFFF;
	p2 =	slt.u32 s8, $0xFFFFF086  }
0x1c: {  	p1 =	slt.u32 s9, $0xF7A;
	s5 =	simm.s32 @!p2 $0x0  }
0x1d: {  	s5 =	simm.s32 @p1 $0x1;
	p0 =	seq.s32 s7, s2  }
0x1e: {  	s7 =	smul.u32 @!p0 $0xF7A, s2;
	p2 =	seq.s32 @!p0 s5, $0x0  }
0x1f: {  	s9 =	smul.u32 $0xF7A, s1;
	s8 =	simm.s32 @!p0 $0x1BF5;
	p2 =	por !p2, p0  }
0x20: {  	[sflag:s8] =	ssyncset.s32 @!p0 $0xFFFFF086;
	s6 =	sadd.s32 @!p0 s3, s7;
	s7 =	simm.s32 @!p0 $0x108  }
0x21: {  	s3 =	sadd.s32 s3, s9;
	s6 =	sadd.s32 @!p0 $0x88, s6;
	s7 =	simm.s32 @p2 $0x1082  }
0x22: {  	[simem:s7], [sflag:s8] =	dma.local @!p0 [hbm:s6], $0xF7A  }
0x23: {  	s9 =	sor.u32 $0xD0000000, s2;
	s6 =	simm.s32 $0x108;
	_ =	swait.ge @!p0 [sflag:s8], $0x0  }
0x24: {  	s3 =	sadd.s32 $0x88, s3;
	s6 =	simm.s32 @!p1 $0x1082;
	[sflag:s4] =	ssyncset.s32 $0xFFFFF086  }
0x25: {  	[simem:s6], [sflag:s4] =	dma.local [hbm:s3], $0xF7A  }
0x26: {  	[smem:$0x3F9B] =	sst s1;
	(tag) =	ssettag s2;
	_ =	strace s9  }
0x27: {  	s1 =	sld [smem:$0x3FAB]  }
0x28: {  	s2 =	sld [smem:$0x3FAC]  }
0x29: {  	s4 =	sld [smem:$0x3FAE]  }
0x2a: {  	p0 =	seq.s32 s5, $0x0;
	s5 =	sld [smem:$0x3FAF]  }
0x2b: {  	s6 =	sld [smem:$0x3FB0]  }
0x2c: {  	s7 =	sld [smem:$0x3FB1]  }
0x2d: {  	s3 =	simm.s32 $0x108;
	s8 =	sld [smem:$0x3FB2]  }
0x2e: {  	s3 =	simm.s32 @!p0 $0x1082;
	s9 =	sld [smem:$0x3FB3]  }
0x2f: {  	lr =	sadd.s32 s0, s3;
	s0 =	sld [smem:$0x3FAA]  }
0x30: {  	s3 =	sld [smem:$0x3FAD]  }
0x31: {  	[smem:$0x3FB6] =	sst s10  }
0x32: {  	s10 =	sld [smem:$0x3FB4];
	_ =	sdelay $0x3  }
0x33: {  	p0 =	seq.s32 s10, $0x1;
	s10 =	sld [smem:$0x3FB6];
	_ =	sdelay $0x3  }
0x34: {  	[smem:$0x3FB6] =	sst s10  }
0x35: {  	s10 =	sld [smem:$0x3FB5];
	_ =	sdelay $0x3  }
0x36: {  	p1 =	seq.s32 s10, $0x1;
	s10 =	sld [smem:$0x3FB6];
	_ =	sdelay $0x3  }
0x37: {  	[smem:$0x3FB6] =	sst s10  }
0x38: {  	s10 =	sld [smem:$0x3FB7]  }
0x39: {  	_ = 	snop;
	(pc) =	sbr.ind lr, $3  }
0x3a: {  	_ = 	snop  }
0x3b: {  	_ = 	snop  }
0x3c: {  	p2 =	seq.s32 s10, $0x1;
	s10 =	sld [smem:$0x3FB6]  }
0x3d: {  	_ =	shalt  }
0x3e: {  	_ =	shalt  }
0x3f: {  	_ =	shalt  }
0x40: {  	_ =	shalt  }
0x41: {  	_ =	shalt  }
0x42: {  	_ =	shalt  }
0x43: {  	_ =	shalt  }
0x44: {  	_ =	shalt  }
0x45: {  	_ =	shalt  }
0x46: {  	_ =	shalt  }
0x47: {  	_ =	shalt  }
0x48: {  	_ =	shalt  }
0x49: {  	_ =	shalt  }
0x4a: {  	_ =	shalt  }
0x4b: {  	_ =	shalt  }
0x4c: {  	_ =	shalt  }
0x4d: {  	_ =	shalt  }
0x4e: {  	_ =	shalt  }
0x4f: {  	_ =	shalt  }
0x50: {  	_ =	shalt  }
0x51: {  	_ =	shalt  }
0x52: {  	_ =	shalt  }
0x53: {  	_ =	shalt  }
0x54: {  	_ =	shalt  }
0x55: {  	_ =	shalt  }
0x56: {  	_ =	shalt  }
0x57: {  	_ =	shalt  }
0x58: {  	_ =	shalt  }
0x59: {  	_ =	shalt  }
0x5a: {  	_ =	shalt  }
0x5b: {  	_ =	shalt  }
0x5c: {  	_ =	shalt  }
0x5d: {  	_ =	shalt  }
0x5e: {  	_ =	shalt  }
0x5f: {  	_ =	shalt  }
0x60: {  	_ =	shalt  }
0x61: {  	_ =	shalt  }
0x62: {  	_ =	shalt  }
0x63: {  	_ =	shalt  }
0x64: {  	_ =	shalt  }
0x65: {  	_ =	shalt  }
0x66: {  	_ =	shalt  }
0x67: {  	_ =	shalt  }
0x68: {  	_ =	shalt  }
0x69: {  	_ =	shalt  }
0x6a: {  	_ =	shalt  }
0x6b: {  	_ =	shalt  }
0x6c: {  	_ =	shalt  }
0x6d: {  	_ =	shalt  }
0x6e: {  	_ =	shalt  }
0x6f: {  	_ =	shalt  }
0x70: {  	_ =	shalt  }
0x71: {  	_ =	shalt  }
0x72: {  	_ =	shalt  }
0x73: {  	_ =	shalt  }
0x74: {  	_ =	shalt  }
0x75: {  	_ =	shalt  }
0x76: {  	_ =	shalt  }
0x77: {  	_ =	shalt  }
0x78: {  	_ =	shalt  }
0x79: {  	_ =	shalt  }
0x7a: {  	_ =	shalt  }
0x7b: {  	_ =	shalt  }
0x7c: {  	_ =	shalt  }
0x7d: {  	_ =	shalt  }
0x7e: {  	_ =	shalt  }
0x7f: {  	_ =	shalt  }
0x80: {  	_ =	shalt  }
0x81: {  	_ =	shalt  }
0x82: {  	_ =	shalt  }
0x83: {  	_ =	shalt  }
0x84: {  	_ =	shalt  }
0x85: {  	_ =	shalt  }
0x86: {  	_ =	shalt  }
0x87: {  	_ =	shalt  }
.Lfunc_end0:
.L_simem_size_0:
called_computation.2_lowered:
.L_overlay_start_0:
0x88: {  	s2 =	sld [smem:$0x3FD9]  }
0x89: {  	s3 =	sld [smem:$0x3FFE];
	_ =	sdelay $0x1  }
0x8a: {  	s1 =	srdreg.scid  }
0x8b: {  	s0 =	sand.u32 $0x1, s1  }
0x8c: {  	s17 =	sshll.u32 s0, $0xA;
	s2 =	sadd.s32 s3, s2  }
0x8d: {  	s2 =	sadd.s32 s2, s17  }
0x8e: {  	[smem:$0x3FC2] =	sst s2  }
0x8f: {  	_ = 	snop  }
0x90: {  	s2 =	sld [smem:$0x3FD0];
	(tm) =	ssettm $0x1  }
0x91: {  	s18 =	sld [smem:$0x3FFB];
	_ =	sdelay $0x3  }
0x92: {  	_ =	strace s18  }
0x93: {  	s3 =	sld [smem:$0x3FFC];
	_ =	sdelay $0x3  }
0x94: {  	_ =	strace s3  }
0x95: {  	s3 =	sld [smem:$0x3FFD];
	_ =	sdelay $0x3  }
0x96: {  	_ =	strace s3  }
0x97: {  	_ =	strace $0x8FFFFFFF  }
0x98: {  	s19 =	sld [smem:$0x3FDB];
	_ =	sdelay $0x1  }
0x99: {  	s4 =	simm.s32 $_scs_section_size  }
0x9a: {  	s5 =	simm.s32 $_size__tile_overlayer_lowered;
	s6 =	simm.s32 $_tile_overlayer_lowered  }
0x9b: {  	s22 =	simm.s32 $0x1BFF;
	s21 =	sshll.u32 s6, $0x1;
	s3 =	sadd.s32 s4, s19  }
0x9c: {  	s7 =	simm.s32 $0x0;
	s20 =	sshll.u32 s5, $0x1;
	s5 =	sadd.s32 s21, s3  }
0x9d: {  	[timem:s7], [sflag:s22] =	dma.local [hbm:s5], s20  }
0x9e: {  	_ =	swait.ge [sflag:s22], s20  }
0x9f: {  	s4 =	ssub.s32 $0x0, s20;
	[sflag:s22] =	ssyncset.done $0x0  }
0xa0: {  	[sflag:s22] =	ssyncadd.s32 s4;
	_ =	sdelay $0x1  }
0xa1: {  	s23 =	simm.s32 $0x1B8B  }
0xa2: {  	_ =	swait.ge [sflag:s23], $0x1  }
0xa3: {  	[sflag:s23] =	ssyncset.done $0x0  }
0xa4: {  	s25 =	simm.s32 $0x1B8E;
	s24 =	sld [smem:$0x3FFE];
	[sflag:s23] =	ssyncadd.s32 $0xFFFFFFFF  }
0xa5: {  	s26 =	simm.s32 $execute0_lowered;
	[smem:$0x3FD2] =	sst s25  }
0xa6: {  	s5 =	sshll.u32 s26, $0x1;
	_ =	strace $0x8000004C;
	[dreg:$0x1] =	wrdreg $0xFFFFFFFF  }
0xa7: {  	s28 =	simm.s32 $_size_execute0_lowered;
	s3 =	sadd.s32 s3, s5;
	[dreg:$0x0] =	wrdreg $0x0  }
0xa8: {  	s5 =	sshll.u32 s28, $0x1;
	[dreg:$0x2] =	wrdreg s3  }
0xa9: {  	[dreg:$0x3] =	wrdreg s5  }
0xaa: {  	[dreg:$0x4] =	wrdreg $0xC0  }
0xab: {  	_ =	task [dreg:s7], $0x5FFFF  }
0xac: {  	[dreg:$0x1] =	wrdreg $0xFFFFFFFF  }
0xad: {  	[dreg:$0x0] =	wrdreg $0x60  }
0xae: {  	[dreg:$0x2] =	wrdreg s2  }
0xaf: {  	[dreg:$0x3] =	wrdreg s24  }
0xb0: {  	[dreg:$0x4] =	wrdreg $0xA4000  }
0xb1: {  	[dreg:$0x5] =	wrdreg $0x9  }
0xb2: {  	_ =	task.clear_ibuf [dreg:s7], $0x6FFFF;
	_ =	strace $0x9000004C  }
0xb3: {  	s29 =	simm.s32 $0x9;
	_ =	strace $0x8000004E  }
0xb4: {  	_ =	swait.ge [sflag:s29], $0x1  }
0xb5: {  	[sflag:s29] =	ssyncadd.s32 $0xFFFFFFFF  }
0xb6: {  	_ =	strace $0x9000004E  }
0xb7: {  	_ =	sfence  }
0xb8: {  	s30 =	sld [smem:$0x0];
	_ =	sdelay $0x2  }
0xb9: {  	s31 =	sshll.u32 s1, $0xD;
	s1 =	sshrl.u32 s1, $0x2  }
0xba: {  	s3 =	sand.u32 $0x4000, s31;
	s1 =	sadd.s32 s1, s30  }
0xbb: {  	s0 =	sor.u32 s3, s0;
	s1 =	sshll.u32 s1, $0x11  }
0xbc: {  	s0 =	sor.u32 s1, s0  }
0xbd: {  	s0 =	sadd.s32 $0x8F2B, s0  }
0xbe: {  	[sflag:s0] =	ssyncadd.remote.s32 $0x1  }
0xbf: {  	_ =	sfence.sel $0xFFFF  }
0xc0: {  	[dreg:$0x0] =	wrdreg $0xFFFFFFFF;
	(pc) =	sbr.abs _section_cstart, $3  }
0xc1: {  	[dreg:$0x1] =	wrdreg $0xFFFFFFFF  }
0xc2: {  	_ =	task.clear_ibuf [dreg:s7], $0x2FFFF;
	_ =	strace $0x9FFFFFFF  }
0xc3: {  	(tm) =	ssettm $0x7FFFFFFF  }
tec
execute0_lowered:
.L_overlay_start_1:
0x0: {  	(tag) =	ssettag $0x1  }
0x1: {  	s2 =	rddreg [dreg:$0x0]  }
0x2: {  	s0 =	rddreg [dreg:$0x1]  }
0x3: {  	s3 =	rddreg [dreg:$0x2]  }
0x4: {  	s10 =	stileid.u32;
	s1 =	srdreg.scid  }
0x5: {  	s4 =	simm.s32 $0x0;
	s28 =	simm.s32 $0x400;
	s29 =	simm.s32 $0x80  }
0x6: {  	s30 =	simm.s32 $0x6;
	s31 =	simm.s32 $0x280;
	s5 =	smul.u32 $0x2800, s10  }
0x7: {  	s1 =	sand.u32 $0x1, s1;
	[smem:$0x7FF] =	sst s4;
	s8 =	smul.u32 $0x50000, s10  }
0x8: {  	s11 =	sadd.s32 $0x2000, s0;
	s12 =	sadd.s32 $0xBE00, s0;
	s15 =	smul.u32 $0x2710, s10  }
0x9: {  	s13 =	sshll.u32 s10, $0x6;
	s6 =	smul.u32 $0x28000, s1;
	_ =	strace $0x8000004D  }
0xa: {  	s23 =	ssub.s32 $0x2, s1;
	s9 =	sshll.u32 s1, $0x4;
	s1 =	smul.u32 $0x27100, s1  }
0xb: {  	s18 =	sor.u32 $0x1C0D, s13;
	s13 =	simm.s32 $0x180;
	s7 =	sadd.s32 s5, s0  }
0xc: {  	s24 =	sshrl.u32 s23, $0x1;
	s9 =	sor.u32 s10, s9;
	s25 =	sshrl.u32 s8, $0x2  }
0xd: {  	s8 =	simm.s32 $0x300;
	s10 =	simm.s32 $0x7;
	[dreg:$0x6] =	wrdreg s18  }
0xe: {  	s5 =	sadd.s32 s5, s6;
	s26 =	smul.u32 $0x2710, s9;
	s6 =	sadd.s32 s25, s3  }
0xf: {  	s9 =	sadd.s32 $0x15C00, s7;
	s1 =	sadd.s32 s15, s1;
	s15 =	simm.s32 $0x8  }
0x10: {  	s0 =	sadd.s32 s5, s0;
	s5 =	ssub.s32 s23, s24;
	[dreg:$0x4] =	wrdreg s6  }
0x11: {  	[dreg:$0x5] =	wrdreg s9;
	s20 =	sadd.s32 $0x190, s1;
	s21 =	sadd.s32 $0x140, s1  }
0x12: {  	s23 =	sadd.s32 $0xF0, s1;
	s1 =	sadd.s32 $0xA0, s1;
	s9 =	simm.s32 $0x3  }
0x13: {  	s14 =	sshrl.u32 s26, $0x3;
	s0 =	sadd.s32 $0x3DC00, s0;
	s5 =	smax.u32 s5, $0x1  }
0x14: {  	[dreg:$0xd] =	wrdreg s21;
	s24 =	sshrl.u32 s23, $0x3;
	s1 =	sshrl.u32 s1, $0x3  }
0x15: {  	s21 =	smov.u32 s11;
	s23 =	simm.s32 $0x9;
	[dreg:$0xb] =	wrdreg s0  }
0x16: {  	s16 =	sadd.s32 s11, s14;
	s17 =	sadd.s32 $0xA, s14;
	[dreg:$0xc] =	wrdreg s5  }
0x17: {  	s7 =	sadd.s32 s12, s14;
	s0 =	sshrl.u32 s20, $0x3;
	[dreg:$0x7] =	wrdreg s16  }
0x18: {  	s5 =	sadd.s32 s24, s12;
	s25 =	sadd.s32 s1, s12;
	[dreg:$0x8] =	wrdreg s7  }
0x19: {  	s26 =	sadd.s32 s1, s11;
	s1 =	simm.s32 $0x1;
	[dreg:$0x10] =	wrdreg s5  }
0x1a: {  	s14 =	simm.s32 $0x380;
	s20 =	simm.s32 $0x0;
	[dreg:$0x12] =	wrdreg s25  }
0x1b: {  	s19 =	sadd.s32 s11, s17;
	s6 =	sadd.s32 s12, s17;
	[dreg:$0x13] =	wrdreg s26  }
0x1c: {  	s22 =	sadd.s32 s0, s12;
	s0 =	sadd.s32 s0, s11;
	[dreg:$0x9] =	wrdreg s19  }
0x1d: {  	s25 =	simm.s32 $0x200;
	s26 =	simm.s32 $0x50;
	[dreg:$0xa] =	wrdreg s6  }
.Ltmp0:
0x1e: {  	s7 =	simm.s32 $0x100;
	[dreg:$0xe] =	wrdreg s22;
	(pc) =	sbr.rel .LBB2_1-.Ltmp0, $4  }
0x1f: {  	s16 =	simm.s32 $0x7C00;
	s5 =	simm.s32 $0x4;
	[dreg:$0xf] =	wrdreg s0  }
0x20: {  	s0 =	sadd.s32 s24, s11;
	s22 =	smov.u32 s12;
	s19 =	simm.s32 $0xD  }
0x21: {  	s24 =	simm.s32 $0x5;
	s11 =	simm.s32 $0x5400;
	s12 =	simm.s32 $0x2  }
0x22: {  	s6 =	simm.s32 $0xA;
	[dreg:$0x11] =	wrdreg s0;
	s0 =	simm.s32 $0x2C00  }
.LBB2_4:
0x23: {  	[spmem:s3] =	stream.indirect.scatter.add.f32 [tilespmem:s16], [sflag:$0xC], $0x80, s14, s26, $0xb8;
	[tilespmem:$0x1E400] =	vst v63  }
0x24: {  	_ =	swait.ge [sflag:s1], $0x2800  }
0x25: {  	[sflag:s1] =	ssyncset.done $0x0  }
0x26: {  	[sflag:s1] =	ssyncadd.s32 $0xFFFFD800  }
0x27: {  	[spmem:s3] =	stream.indirect.scatter.add.f32 [tilespmem:s28], [sflag:$0x9], $0x80, s25, s26, $0xb8;
	[tilespmem:$0x1E400] =	vst v63  }
0x28: {  	_ =	swait.ge [sflag:s6], $0x2800  }
0x29: {  	[sflag:s6] =	ssyncset.done $0x0  }
0x2a: {  	s17 =	simm.s32 $0xB;
	[sflag:s6] =	ssyncadd.s32 $0xFFFFD800  }
0x2b: {  	_ =	swait.ge [sflag:s17], $0x2800  }
0x2c: {  	[sflag:s17] =	ssyncset.done $0x0  }
0x2d: {  	s19 =	simm.s32 $0xC;
	[sflag:s17] =	ssyncadd.s32 $0xFFFFD800  }
0x2e: {  	_ =	swait.ge [sflag:s19], $0x2800  }
0x2f: {  	[sflag:s19] =	ssyncset.done $0x0  }
0x30: {  	[sflag:s19] =	ssyncadd.s32 $0xFFFFD800  }
0x31: {  	_ =	swait.ge [sflag:s23], $0x2800  }
0x32: {  	[sflag:s23] =	ssyncset.done $0x0  }
0x33: {  	[sflag:s23] =	ssyncadd.s32 $0xFFFFD800  }
0x34: {  	[bflag:$0x0] =	sbarrier.arrive $0xFFFF  }
0x35: {  	s18 =	rddreg [dreg:$0x6]  }
0x36: {  	s20 =	rddreg [dreg:$0xb]  }
0x37: {  	s19 =	rddreg [dreg:$0x15]  }
0x38: {  	[hbm:s20], [sflag:s18] =	dma.local [spmem:s19], $0x2800  }
0x39: {  	s19 =	simm.s32 $0xD  }
0x3a: {  	_ =	swait.ge [sflag:s19], $0x2800  }
0x3b: {  	s20 =	rddreg [dreg:$0x14]  }
0x3c: {  	s17 =	rddreg [dreg:$0xc];
	s20 =	sadd.s32 $0x1, s20  }
0x3d: {  	p0 =	sne.s32 s20, s17  }
.Ltmp1:
0x3e: {  	_ = 	snop;
	(pc) =	sbr.rel @!p0 .LBB2_5-.Ltmp1, $3  }
0x3f: {  	_ =	sdelay $0x1  }
0x40: {  	[sflag:s19] =	ssyncset.done $0x0  }
0x41: {  	[sflag:s19] =	ssyncadd.s32 $0xFFFFD800  }
.LBB2_1:
0x42: {  	[dreg:$0x14] =	wrdreg s20  }
0x43: {  	s17 =	rddreg [dreg:$0x4]  }
0x44: {  	s20 =	sshrl.u32 s17, $0x3;
	s17 =	rddreg [dreg:$0x5]  }
0x45: {  	[dreg:$0x15] =	wrdreg s20  }
0x46: {  	[spmem:s20], [sflag:s18] =	dma.local [hbm:s17], $0x2800  }
0x47: {  	_ =	swait.ge [sflag:s19], $0x2800  }
0x48: {  	[sflag:s19] =	ssyncset.done $0x0  }
0x49: {  	[sflag:s19] =	ssyncadd.s32 $0xFFFFD800  }
0x4a: {  	[bflag:$0x0] =	sbarrier.arrive $0xFFFF  }
0x4b: {  	s20 =	rddreg [dreg:$0x7]  }
0x4c: {  	[tilespmem:s4], [sflag:$0x5] =	stream.linear.gather [hbm4b:s20+s4], $0x50, $0x38;
	[tilespmem:$0x1E400] =	vst v63  }
0x4d: {  	_ =	swait.ge [sflag:s24], $0x50  }
0x4e: {  	[sflag:s24] =	ssyncset.done $0x0  }
0x4f: {  	s18 =	rddreg [dreg:$0x8];
	[sflag:s24] =	ssyncadd.s32 $0xFFFFFFB0  }
0x50: {  	[tilespmem:s25], [sflag:$0x5] =	stream.linear.gather [hbm4b:s18+s4], $0x50, $0x38;
	[tilespmem:$0x1E400] =	vst v63  }
0x51: {  	_ =	swait.ge [sflag:s24], $0x50  }
0x52: {  	[sflag:s24] =	ssyncset.done $0x0  }
0x53: {  	[sflag:s24] =	ssyncadd.s32 $0xFFFFFFB0  }
0x54: {  	[tilespmem:s28], [sflag:$0x1] =	stream.indirect.gather [hbm4b:s2+s26], $0x80, s4, s26, $0xb8;
	[tilespmem:$0x1E400] =	vst v63  }
0x55: {  	s19 =	rddreg [dreg:$0x9]  }
0x56: {  	[tilespmem:s29], [sflag:$0x6] =	stream.linear.gather [hbm4b:s19+s4], $0x50, $0x38;
	[tilespmem:$0x1E400] =	vst v63  }
0x57: {  	_ =	swait.ge [sflag:s30], $0x50  }
0x58: {  	[sflag:s30] =	ssyncset.done $0x0  }
0x59: {  	s20 =	rddreg [dreg:$0xa];
	[sflag:s30] =	ssyncadd.s32 $0xFFFFFFB0  }
0x5a: {  	[tilespmem:s31], [sflag:$0x6] =	stream.linear.gather [hbm4b:s20+s4], $0x50, $0x38;
	[tilespmem:$0x1E400] =	vst v63  }
0x5b: {  	_ =	swait.ge [sflag:s30], $0x50  }
0x5c: {  	[sflag:s30] =	ssyncset.done $0x0  }
0x5d: {  	s18 =	simm.s32 $0x0;
	s17 =	rddreg [dreg:$0xd];
	[sflag:s30] =	ssyncadd.s32 $0xFFFFFFB0  }
0x5e: {  	[tilespmem:s0], [sflag:$0x2] =	stream.indirect.gather [hbm4b:s2+s26], $0x80, s29, s26, $0xb8;
	[tilespmem:$0x1E400] =	vst v63  }
.LBB2_2:
0x5f: {  	_ =	swait.ge [sflag:s1], $0x2800  }
0x60: {  	p0 =	seq.s32 s18, $0x0;
	[sflag:s1] =	ssyncset.done $0x0  }
0x61: {  	s19 =	simm.s32 @!p0 $0xB;
	[sflag:s1] =	ssyncadd.s32 $0xFFFFD800  }
0x62: {  	_ =	swait.ge @!p0 [sflag:s19], $0x2800  }
0x63: {  	[sflag:s19] =	ssyncset.done @!p0 $0x0;
	s20 =	rddreg [dreg:$0x13]  }
0x64: {  	[sflag:s19] =	ssyncadd.s32 @!p0 $0xFFFFD800;
	s19 =	sadd.s32 s18, s20;
	s20 =	rddreg [dreg:$0x12]  }
0x65: {  	[tilespmem:s7], [sflag:$0x7] =	stream.linear.gather [hbm4b:s19+s4], $0x50, $0x38;
	[tilespmem:$0x1E400] =	vst v63  }
0x66: {  	s19 =	sadd.s32 s18, s20  }
0x67: {  	[tilespmem:s8], [sflag:$0x7] =	stream.linear.gather [hbm4b:s19+s4], $0x50, $0x38;
	[tilespmem:$0x1E400] =	vst v63  }
0x68: {  	_ = 	snop  }
0x69: {  	[spmem:s3] =	stream.indirect.scatter.add.f32 [tilespmem:s28], [sflag:$0x9], $0x80, s25, s26, $0xb8;
	[tilespmem:$0x1E400] =	vst v63  }
0x6a: {  	_ =	swait.ge [sflag:s10], $0x50  }
0x6b: {  	[sflag:s10] =	ssyncset.done $0x0  }
0x6c: {  	[sflag:s10] =	ssyncadd.s32 $0xFFFFFFB0  }
0x6d: {  	_ =	swait.ge [sflag:s10], $0x50  }
0x6e: {  	[sflag:s10] =	ssyncset.done $0x0  }
0x6f: {  	[sflag:s10] =	ssyncadd.s32 $0xFFFFFFB0  }
0x70: {  	[tilespmem:s11], [sflag:$0x3] =	stream.indirect.gather [hbm4b:s2+s26], $0x80, s7, s26, $0xb8;
	[tilespmem:$0x1E400] =	vst v63  }
0x71: {  	_ =	swait.ge [sflag:s12], $0x2800  }
0x72: {  	[sflag:s12] =	ssyncset.done $0x0  }
0x73: {  	s19 =	simm.s32 @!p0 $0xC;
	[sflag:s12] =	ssyncadd.s32 $0xFFFFD800  }
0x74: {  	_ =	swait.ge @!p0 [sflag:s19], $0x2800  }
0x75: {  	[sflag:s19] =	ssyncset.done @!p0 $0x0;
	s20 =	rddreg [dreg:$0x11]  }
0x76: {  	[sflag:s19] =	ssyncadd.s32 @!p0 $0xFFFFD800;
	s19 =	sadd.s32 s18, s20;
	s20 =	rddreg [dreg:$0x10]  }
0x77: {  	[tilespmem:s13], [sflag:$0x8] =	stream.linear.gather [hbm4b:s19+s4], $0x50, $0x38;
	[tilespmem:$0x1E400] =	vst v63  }
0x78: {  	s19 =	sadd.s32 s18, s20  }
0x79: {  	[tilespmem:s14], [sflag:$0x8] =	stream.linear.gather [hbm4b:s19+s4], $0x50, $0x38;
	[tilespmem:$0x1E400] =	vst v63  }
0x7a: {  	_ = 	snop  }
0x7b: {  	[spmem:s3] =	stream.indirect.scatter.add.f32 [tilespmem:s0], [sflag:$0xA], $0x80, s31, s26, $0xb8;
	[tilespmem:$0x1E400] =	vst v63  }
0x7c: {  	_ =	swait.ge [sflag:s15], $0x50  }
0x7d: {  	[sflag:s15] =	ssyncset.done $0x0  }
0x7e: {  	[sflag:s15] =	ssyncadd.s32 $0xFFFFFFB0  }
0x7f: {  	_ =	swait.ge [sflag:s15], $0x50  }
0x80: {  	[sflag:s15] =	ssyncset.done $0x0  }
0x81: {  	[sflag:s15] =	ssyncadd.s32 $0xFFFFFFB0  }
0x82: {  	[tilespmem:s16], [sflag:$0x4] =	stream.indirect.gather [hbm4b:s2+s26], $0x80, s13, s26, $0xb8;
	[tilespmem:$0x1E400] =	vst v63  }
0x83: {  	_ =	swait.ge [sflag:s9], $0x2800  }
0x84: {  	[sflag:s9] =	ssyncset.done $0x0  }
0x85: {  	[sflag:s9] =	ssyncadd.s32 $0xFFFFD800  }
0x86: {  	_ =	swait.ge [sflag:s23], $0x2800  }
0x87: {  	s19 =	sshrl.u32 s17, $0x3;
	[sflag:s23] =	ssyncset.done $0x0  }
0x88: {  	s20 =	sadd.s32 s21, s19;
	[sflag:s23] =	ssyncadd.s32 $0xFFFFD800  }
0x89: {  	[tilespmem:s4], [sflag:$0x5] =	stream.linear.gather [hbm4b:s20+s4], $0x50, $0x38;
	[tilespmem:$0x1E400] =	vst v63  }
0x8a: {  	s19 =	sadd.s32 s22, s19  }
0x8b: {  	[tilespmem:s25], [sflag:$0x5] =	stream.linear.gather [hbm4b:s19+s4], $0x50, $0x38;
	[tilespmem:$0x1E400] =	vst v63  }
0x8c: {  	_ = 	snop  }
0x8d: {  	[spmem:s3] =	stream.indirect.scatter.add.f32 [tilespmem:s11], [sflag:$0xB], $0x80, s8, s26, $0xb8;
	[tilespmem:$0x1E400] =	vst v63  }
0x8e: {  	_ =	swait.ge [sflag:s24], $0x50  }
0x8f: {  	[sflag:s24] =	ssyncset.done $0x0  }
0x90: {  	[sflag:s24] =	ssyncadd.s32 $0xFFFFFFB0  }
0x91: {  	_ =	swait.ge [sflag:s24], $0x50  }
0x92: {  	p0 =	seq.s32 s18, $0x4B0;
	[sflag:s24] =	ssyncset.done $0x0  }
.Ltmp2:
0x93: {  	[sflag:s24] =	ssyncadd.s32 $0xFFFFFFB0;
	(pc) =	sbr.rel @p0 .LBB2_4-.Ltmp2, $4  }
0x94: {  	[tilespmem:s28], [sflag:$0x1] =	stream.indirect.gather [hbm4b:s2+s26], $0x80, s4, s26, $0xb8;
	[tilespmem:$0x1E400] =	vst v63  }
0x95: {  	_ =	swait.ge [sflag:s5], $0x2800  }
0x96: {  	[sflag:s5] =	ssyncset.done $0x0  }
0x97: {  	[sflag:s5] =	ssyncadd.s32 $0xFFFFD800  }
0x98: {  	_ =	swait.ge [sflag:s6], $0x2800  }
0x99: {  	[sflag:s6] =	ssyncset.done $0x0;
	s19 =	rddreg [dreg:$0xf]  }
0x9a: {  	s20 =	rddreg [dreg:$0xe];
	[sflag:s6] =	ssyncadd.s32 $0xFFFFD800;
	s19 =	sadd.s32 s18, s19  }
0x9b: {  	[tilespmem:s29], [sflag:$0x6] =	stream.linear.gather [hbm4b:s19+s4], $0x50, $0x38;
	[tilespmem:$0x1E400] =	vst v63  }
0x9c: {  	s19 =	sadd.s32 s18, s20  }
0x9d: {  	[tilespmem:s31], [sflag:$0x6] =	stream.linear.gather [hbm4b:s19+s4], $0x50, $0x38;
	[tilespmem:$0x1E400] =	vst v63  }
0x9e: {  	_ = 	snop  }
0x9f: {  	[spmem:s3] =	stream.indirect.scatter.add.f32 [tilespmem:s16], [sflag:$0xC], $0x80, s14, s26, $0xb8;
	[tilespmem:$0x1E400] =	vst v63  }
0xa0: {  	_ =	swait.ge [sflag:s30], $0x50  }
0xa1: {  	[sflag:s30] =	ssyncset.done $0x0  }
.Ltmp3:
0xa2: {  	[sflag:s30] =	ssyncadd.s32 $0xFFFFFFB0;
	(pc) =	sbr.rel .LBB2_2-.Ltmp3, $4  }
0xa3: {  	_ =	swait.ge [sflag:s30], $0x50  }
0xa4: {  	[sflag:s30] =	ssyncset.done $0x0  }
0xa5: {  	s17 =	sadd.s32 $0x140, s17;
	s18 =	sadd.s32 $0x28, s18;
	[sflag:s30] =	ssyncadd.s32 $0xFFFFFFB0  }
0xa6: {  	[tilespmem:s0], [sflag:$0x2] =	stream.indirect.gather [hbm4b:s2+s26], $0x80, s29, s26, $0xb8;
	[tilespmem:$0x1E400] =	vst v63  }
.LBB2_5:
0xa7: {  	_ =	sfence.sel $0x180000  }
0xa8: {  	[bflag:$0x0] =	sbarrier.arrive $0xFFFF  }
0xa9: {  	_ =	strace $0x9000004D  }
0xaa: {  	s0 =	stileid.u32;
	[bflag:$0x2] =	sbarrier.arrive $0xFFFF  }
0xab: {  	p0 =	sne.s32 s0, $0x0;
	s0 =	rddreg [dreg:$0x3]  }
0xac: {  	s0 =	sadd.s32 @!p0 $0x100000, s0  }
0xad: {  	[sflag:s0] =	ssyncadd.tile.s32 @!p0 $0x1;
	_ =	shalt  }
.Lfunc_end2:
_tile_overlayer_lowered:
.L_overlay_start_2:
0xae: {  	(tag) =	ssettag $0x2  }
0xaf: {  	s0 =	rddreg [dreg:$0x0];
	s2 =	stileid.u32  }
0xb0: {  	s1 =	rddreg [dreg:$0x1];
	p0 =	sne.s32 s2, $0x0  }
0xb1: {  	s3 =	rddreg [dreg:$0x2];
	[bflag:$0x3] =	sbarrier.arrive $0xFFFF;
	s2 =	simm.s32 @!p0 $0x1C0D  }
0xb2: {  	[timem:s3], [sflag:s2] =	dma.local @!p0 [hbm:s0], s1  }
0xb3: {  	s0 =	simm.s32 @!p0 $0xD  }
0xb4: {  	_ =	swait.ge @!p0 [sflag:s0], s1  }
0xb5: {  	s1 =	ssub.s32 @!p0 $0x0, s1;
	[sflag:s0] =	ssyncset.done @!p0 $0x0  }
0xb6: {  	[sflag:s0] =	ssyncadd.s32 @!p0 s1  }
0xb7: {  	[bflag:$0x3] =	sbarrier.arrive $0xFFFF  }
0xb8: {  	_ =	shalt  }

// kernel: kernel.8.cloned.1.call-start
scs
__scs_entry_jumppad:
0x0: {  	(pc) =	sbr.rel $0x88, $3  }
0x1: {  	(tag) =	ssettag $0x0;
	lr =	simm.s32 $0x1  }
0x2: {  	[smem:$0x3F9B] =	sst lr;
	_ =	strace $0xD0000000  }
0x3: {  	_ = 	snop  }
0x4: {  	_ = 	snop  }
0x5: {  	_ = 	snop  }
0x6: {  	_ = 	snop  }
0x7: {  	_ = 	snop  }
__scs_overlays_trampoline_lowered:
0x8: {  	[smem:$0x3FAA] =	sst s0  }
0x9: {  	[smem:$0x3FAB] =	sst s1  }
0xa: {  	[smem:$0x3FAC] =	sst s2  }
0xb: {  	[smem:$0x3FAD] =	sst s3  }
0xc: {  	[smem:$0x3FAE] =	sst s4  }
0xd: {  	[smem:$0x3FAF] =	sst s5  }
0xe: {  	[smem:$0x3FB0] =	sst s6  }
0xf: {  	[smem:$0x3FB1] =	sst s7  }
0x10: {  	[smem:$0x3FB2] =	sst s8  }
0x11: {  	[smem:$0x3FB3] =	sst s9;
	s0 =	simm.s32 @!p0 $0x0  }
0x12: {  	s1 =	sld [smem:$0x3F99];
	s0 =	simm.s32 @p0 $0x1  }
0x13: {  	[smem:$0x3FB4] =	sst s0;
	s0 =	simm.s32 @!p1 $0x0  }
0x14: {  	s2 =	sld [smem:$0x3F98];
	s0 =	simm.s32 @p1 $0x1  }
0x15: {  	[smem:$0x3FB5] =	sst s0;
	s0 =	simm.s32 @!p2 $0x0  }
0x16: {  	s3 =	sld [smem:$0x3FDB];
	s0 =	simm.s32 @p2 $0x1  }
0x17: {  	s4 =	simm.s32 $0x1BF5;
	[smem:$0x3FB7] =	sst s0  }
0x18: {  	s0 =	sld [smem:$0x3F9A];
	_ =	swait.ge [sflag:s4], $0x0  }
0x19: {  	s7 =	sld [smem:$0x3F9B]  }
0x1a: {  	s8 =	sadd.s32 $0xFFFFE003, lr  }
0x1b: {  	s9 =	sadd.s32 $0xFFFFFEF7, lr;
	s5 =	simm.s32 $0xFFFFFFFF;
	p2 =	slt.u32 s8, $0xFFFFF086  }
0x1c: {  	p1 =	slt.u32 s9, $0xF7A;
	s5 =	simm.s32 @!p2 $0x0  }
0x1d: {  	s5 =	simm.s32 @p1 $0x1;
	p0 =	seq.s32 s7, s2  }
0x1e: {  	s7 =	smul.u32 @!p0 $0xF7A, s2;
	p2 =	seq.s32 @!p0 s5, $0x0  }
0x1f: {  	s9 =	smul.u32 $0xF7A, s1;
	s8 =	simm.s32 @!p0 $0x1BF5;
	p2 =	por !p2, p0  }
0x20: {  	[sflag:s8] =	ssyncset.s32 @!p0 $0xFFFFF086;
	s6 =	sadd.s32 @!p0 s3, s7;
	s7 =	simm.s32 @!p0 $0x108  }
0x21: {  	s3 =	sadd.s32 s3, s9;
	s6 =	sadd.s32 @!p0 $0x88, s6;
	s7 =	simm.s32 @p2 $0x1082  }
0x22: {  	[simem:s7], [sflag:s8] =	dma.local @!p0 [hbm:s6], $0xF7A  }
0x23: {  	s9 =	sor.u32 $0xD0000000, s2;
	s6 =	simm.s32 $0x108;
	_ =	swait.ge @!p0 [sflag:s8], $0x0  }
0x24: {  	s3 =	sadd.s32 $0x88, s3;
	s6 =	simm.s32 @!p1 $0x1082;
	[sflag:s4] =	ssyncset.s32 $0xFFFFF086  }
0x25: {  	[simem:s6], [sflag:s4] =	dma.local [hbm:s3], $0xF7A  }
0x26: {  	[smem:$0x3F9B] =	sst s1;
	(tag) =	ssettag s2;
	_ =	strace s9  }
0x27: {  	s1 =	sld [smem:$0x3FAB]  }
0x28: {  	s2 =	sld [smem:$0x3FAC]  }
0x29: {  	s4 =	sld [smem:$0x3FAE]  }
0x2a: {  	p0 =	seq.s32 s5, $0x0;
	s5 =	sld [smem:$0x3FAF]  }
0x2b: {  	s6 =	sld [smem:$0x3FB0]  }
0x2c: {  	s7 =	sld [smem:$0x3FB1]  }
0x2d: {  	s3 =	simm.s32 $0x108;
	s8 =	sld [smem:$0x3FB2]  }
0x2e: {  	s3 =	simm.s32 @!p0 $0x1082;
	s9 =	sld [smem:$0x3FB3]  }
0x2f: {  	lr =	sadd.s32 s0, s3;
	s0 =	sld [smem:$0x3FAA]  }
0x30: {  	s3 =	sld [smem:$0x3FAD]  }
0x31: {  	[smem:$0x3FB6] =	sst s10  }
0x32: {  	s10 =	sld [smem:$0x3FB4];
	_ =	sdelay $0x3  }
0x33: {  	p0 =	seq.s32 s10, $0x1;
	s10 =	sld [smem:$0x3FB6];
	_ =	sdelay $0x3  }
0x34: {  	[smem:$0x3FB6] =	sst s10  }
0x35: {  	s10 =	sld [smem:$0x3FB5];
	_ =	sdelay $0x3  }
0x36: {  	p1 =	seq.s32 s10, $0x1;
	s10 =	sld [smem:$0x3FB6];
	_ =	sdelay $0x3  }
0x37: {  	[smem:$0x3FB6] =	sst s10  }
0x38: {  	s10 =	sld [smem:$0x3FB7]  }
0x39: {  	_ = 	snop;
	(pc) =	sbr.ind lr, $3  }
0x3a: {  	_ = 	snop  }
0x3b: {  	_ = 	snop  }
0x3c: {  	p2 =	seq.s32 s10, $0x1;
	s10 =	sld [smem:$0x3FB6]  }
0x3d: {  	_ =	shalt  }
0x3e: {  	_ =	shalt  }
0x3f: {  	_ =	shalt  }
0x40: {  	_ =	shalt  }
0x41: {  	_ =	shalt  }
0x42: {  	_ =	shalt  }
0x43: {  	_ =	shalt  }
0x44: {  	_ =	shalt  }
0x45: {  	_ =	shalt  }
0x46: {  	_ =	shalt  }
0x47: {  	_ =	shalt  }
0x48: {  	_ =	shalt  }
0x49: {  	_ =	shalt  }
0x4a: {  	_ =	shalt  }
0x4b: {  	_ =	shalt  }
0x4c: {  	_ =	shalt  }
0x4d: {  	_ =	shalt  }
0x4e: {  	_ =	shalt  }
0x4f: {  	_ =	shalt  }
0x50: {  	_ =	shalt  }
0x51: {  	_ =	shalt  }
0x52: {  	_ =	shalt  }
0x53: {  	_ =	shalt  }
0x54: {  	_ =	shalt  }
0x55: {  	_ =	shalt  }
0x56: {  	_ =	shalt  }
0x57: {  	_ =	shalt  }
0x58: {  	_ =	shalt  }
0x59: {  	_ =	shalt  }
0x5a: {  	_ =	shalt  }
0x5b: {  	_ =	shalt  }
0x5c: {  	_ =	shalt  }
0x5d: {  	_ =	shalt  }
0x5e: {  	_ =	shalt  }
0x5f: {  	_ =	shalt  }
0x60: {  	_ =	shalt  }
0x61: {  	_ =	shalt  }
0x62: {  	_ =	shalt  }
0x63: {  	_ =	shalt  }
0x64: {  	_ =	shalt  }
0x65: {  	_ =	shalt  }
0x66: {  	_ =	shalt  }
0x67: {  	_ =	shalt  }
0x68: {  	_ =	shalt  }
0x69: {  	_ =	shalt  }
0x6a: {  	_ =	shalt  }
0x6b: {  	_ =	shalt  }
0x6c: {  	_ =	shalt  }
0x6d: {  	_ =	shalt  }
0x6e: {  	_ =	shalt  }
0x6f: {  	_ =	shalt  }
0x70: {  	_ =	shalt  }
0x71: {  	_ =	shalt  }
0x72: {  	_ =	shalt  }
0x73: {  	_ =	shalt  }
0x74: {  	_ =	shalt  }
0x75: {  	_ =	shalt  }
0x76: {  	_ =	shalt  }
0x77: {  	_ =	shalt  }
0x78: {  	_ =	shalt  }
0x79: {  	_ =	shalt  }
0x7a: {  	_ =	shalt  }
0x7b: {  	_ =	shalt  }
0x7c: {  	_ =	shalt  }
0x7d: {  	_ =	shalt  }
0x7e: {  	_ =	shalt  }
0x7f: {  	_ =	shalt  }
0x80: {  	_ =	shalt  }
0x81: {  	_ =	shalt  }
0x82: {  	_ =	shalt  }
0x83: {  	_ =	shalt  }
0x84: {  	_ =	shalt  }
0x85: {  	_ =	shalt  }
0x86: {  	_ =	shalt  }
0x87: {  	_ =	shalt  }
.Lfunc_end0:
.L_simem_size_0:
called_computation_lowered:
.L_overlay_start_0:
0x88: {  	s2 =	sld [smem:$0x3FD9]  }
0x89: {  	s3 =	sld [smem:$0x3FFE];
	_ =	sdelay $0x1  }
0x8a: {  	s1 =	srdreg.scid  }
0x8b: {  	s0 =	sand.u32 $0x1, s1  }
0x8c: {  	s17 =	sshll.u32 s0, $0xA;
	s2 =	sadd.s32 s3, s2  }
0x8d: {  	s2 =	sadd.s32 s2, s17  }
0x8e: {  	[smem:$0x3FC2] =	sst s2  }
0x8f: {  	_ = 	snop  }
0x90: {  	s2 =	sld [smem:$0x3FD0];
	(tm) =	ssettm $0x1  }
0x91: {  	s18 =	sld [smem:$0x3FFB];
	_ =	sdelay $0x3  }
0x92: {  	_ =	strace s18  }
0x93: {  	s3 =	sld [smem:$0x3FFC];
	_ =	sdelay $0x3  }
0x94: {  	_ =	strace s3  }
0x95: {  	s3 =	sld [smem:$0x3FFD];
	_ =	sdelay $0x3  }
0x96: {  	_ =	strace s3  }
0x97: {  	_ =	strace $0x8FFFFFFF  }
0x98: {  	s19 =	sld [smem:$0x3FDB];
	_ =	sdelay $0x1  }
0x99: {  	s4 =	simm.s32 $_scs_section_size  }
0x9a: {  	s5 =	simm.s32 $_size__tile_overlayer_lowered;
	s6 =	simm.s32 $_tile_overlayer_lowered  }
0x9b: {  	s22 =	simm.s32 $0x1BFF;
	s21 =	sshll.u32 s6, $0x1;
	s3 =	sadd.s32 s4, s19  }
0x9c: {  	s7 =	simm.s32 $0x0;
	s20 =	sshll.u32 s5, $0x1;
	s5 =	sadd.s32 s21, s3  }
0x9d: {  	[timem:s7], [sflag:s22] =	dma.local [hbm:s5], s20  }
0x9e: {  	_ =	swait.ge [sflag:s22], s20  }
0x9f: {  	s4 =	ssub.s32 $0x0, s20;
	[sflag:s22] =	ssyncset.done $0x0  }
0xa0: {  	[sflag:s22] =	ssyncadd.s32 s4;
	_ =	sdelay $0x1  }
0xa1: {  	s23 =	simm.s32 $0x1B8B  }
0xa2: {  	_ =	swait.ge [sflag:s23], $0x1  }
0xa3: {  	[sflag:s23] =	ssyncset.done $0x0  }
0xa4: {  	s25 =	simm.s32 $0x1B8E;
	s24 =	sld [smem:$0x3FFE];
	[sflag:s23] =	ssyncadd.s32 $0xFFFFFFFF  }
0xa5: {  	s26 =	simm.s32 $execute0_lowered;
	[smem:$0x3FD2] =	sst s25  }
0xa6: {  	s5 =	sshll.u32 s26, $0x1;
	_ =	strace $0x80000046;
	[dreg:$0x1] =	wrdreg $0xFFFFFFFF  }
0xa7: {  	s28 =	simm.s32 $_size_execute0_lowered;
	s3 =	sadd.s32 s3, s5;
	[dreg:$0x0] =	wrdreg $0x0  }
0xa8: {  	s5 =	sshll.u32 s28, $0x1;
	[dreg:$0x2] =	wrdreg s3  }
0xa9: {  	[dreg:$0x3] =	wrdreg s5  }
0xaa: {  	[dreg:$0x4] =	wrdreg $0xC0  }
0xab: {  	_ =	task [dreg:s7], $0x5FFFF  }
0xac: {  	[dreg:$0x1] =	wrdreg $0xFFFFFFFF  }
0xad: {  	[dreg:$0x0] =	wrdreg $0x60  }
0xae: {  	[dreg:$0x2] =	wrdreg s2  }
0xaf: {  	[dreg:$0x3] =	wrdreg s24  }
0xb0: {  	[dreg:$0x4] =	wrdreg $0x50800  }
0xb1: {  	[dreg:$0x5] =	wrdreg $0x9  }
0xb2: {  	_ =	task.clear_ibuf [dreg:s7], $0x6FFFF;
	_ =	strace $0x90000046  }
0xb3: {  	s29 =	simm.s32 $0x9;
	_ =	strace $0x80000048  }
0xb4: {  	_ =	swait.ge [sflag:s29], $0x1  }
0xb5: {  	[sflag:s29] =	ssyncadd.s32 $0xFFFFFFFF  }
0xb6: {  	_ =	strace $0x90000048  }
0xb7: {  	_ =	sfence  }
0xb8: {  	s30 =	sld [smem:$0x0];
	_ =	sdelay $0x2  }
0xb9: {  	s31 =	sshll.u32 s1, $0xD;
	s1 =	sshrl.u32 s1, $0x2  }
0xba: {  	s3 =	sand.u32 $0x4000, s31;
	s1 =	sadd.s32 s1, s30  }
0xbb: {  	s0 =	sor.u32 s3, s0;
	s1 =	sshll.u32 s1, $0x11  }
0xbc: {  	s0 =	sor.u32 s1, s0  }
0xbd: {  	s0 =	sadd.s32 $0x8F2B, s0  }
0xbe: {  	[sflag:s0] =	ssyncadd.remote.s32 $0x1  }
0xbf: {  	_ =	sfence.sel $0xFFFF  }
0xc0: {  	[dreg:$0x0] =	wrdreg $0xFFFFFFFF;
	(pc) =	sbr.abs _section_cstart, $3  }
0xc1: {  	[dreg:$0x1] =	wrdreg $0xFFFFFFFF  }
0xc2: {  	_ =	task.clear_ibuf [dreg:s7], $0x2FFFF;
	_ =	strace $0x9FFFFFFF  }
0xc3: {  	(tm) =	ssettm $0x7FFFFFFF  }
tec
execute0_lowered:
.L_overlay_start_1:
0x0: {  	(tag) =	ssettag $0x1  }
0x1: {  	s5 =	rddreg [dreg:$0x0]  }
0x2: {  	s4 =	rddreg [dreg:$0x1]  }
0x3: {  	s1 =	rddreg [dreg:$0x2]  }
0x4: {  	s0 =	rddreg [dreg:$0x3]  }
0x5: {  	s3 =	simm.s32 $0x0;
	s2 =	srdreg.scid;
	s12 =	simm.s32 $0x50  }
0x6: {  	s13 =	simm.s32 $0x5000;
	[smem:$0x7FF] =	sst s3;
	s6 =	sand.u32 $0x1, s2  }
0x7: {  	s14 =	simm.s32 $0x0;
	s2 =	stileid.u32;
	s7 =	smul.u32 $0x2800, s6  }
0x8: {  	_ =	strace $0x80000047;
	s8 =	sshll.u32 s2, $0x7;
	s9 =	sshll.u32 s2, $0xA  }
0x9: {  	s10 =	sshll.u32 s6, $0x4;
	s6 =	ssub.s32 $0x2, s6;
	p0 =	sgt.u32 s2, $0x9  }
0xa: {  	s8 =	sadd.s32 s8, s4;
	s10 =	sor.u32 s2, s10;
	s31 =	sshrl.u32 s6, $0x1  }
0xb: {  	s7 =	sadd.s32 s7, s9;
	s10 =	smul.u32 $0x500, s10;
	s9 =	sadd.s32 s9, s1  }
0xc: {  	s11 =	ssub.s32 s6, s31;
	s7 =	sshrl.u32 s7, $0x3;
	s9 =	sshrl.u32 @!p0 s9, $0x3  }
0xd: {  	v0 =	vlaneseq.u32;
	s7 =	sadd.s32 s7, s4;
	s4 =	sadd.s32 $0x15C00, s8;
	s5 =	sadd.s32 s5, s10  }
0xe: {  	v5 =	vimm.f32 $0.0e+00;
	v1 =	vor.u32 $0x10, v0;
	s8 =	sshll.u32 @!p0 s2, $0x6;
	s10 =	simm.s32 $0x1;
	s6 =	sadd.s32 $0x16200, s7  }
0xf: {  	v2 =	vor.u32 $0x20, v0;
	v3 =	vor.u32 $0x30, v0;
	v4 =	vor.u32 $0x40, v0;
	s7 =	smax.u32 s11, $0x1;
	s8 =	sor.u32 @!p0 $0x1C01, s8;
	s11 =	simm.s32 $0x2800  }
.LBB2_1:
0x10: {  	[spmem:s9], [sflag:s8] =	dma.local @!p0 [hbm:s4], $0x80  }
0x11: {  	s15 =	simm.s32 @!p0 $0x1  }
0x12: {  	_ =	swait.ge @!p0 [sflag:s15], $0x80  }
0x13: {  	[sflag:s15] =	ssyncset.done @!p0 $0x0  }
0x14: {  	[sflag:s15] =	ssyncadd.s32 @!p0 $0xFFFFFF80  }
0x15: {  	[tilespmem:s3], [sflag:$0x1] =	stream.linear.gather [hbm4b:s5+s3], $0x2800, $0x38;
	[tilespmem:$0x5300] =	vst v63  }
0x16: {  	_ =	swait.ge [sflag:s10], $0x2800  }
0x17: {  	[sflag:s10] =	ssyncset.done $0x0  }
0x18: {  	[sflag:s10] =	ssyncadd.s32 $0xFFFFD800  }
0x19: {  	[tilespmem:$0x5000] =	vst v0  }
0x1a: {  	[tilespmem:$0x5010] =	vst v1  }
0x1b: {  	[tilespmem:$0x5020] =	vst v2  }
0x1c: {  	[tilespmem:$0x5030] =	vst v3  }
0x1d: {  	s16 =	simm.s32 $0x200;
	s15 =	simm.s32 $0x0;
	[tilespmem:$0x5040] =	vst v4  }
.LBB2_2:
0x1e: {  	p1 =	sne.s32 s16, $0x9E00;
	[tilespmem:s15+$0x2870] =	vst v5  }
0x1f: {  	[tilespmem:s15+$0x2800] =	vst v5  }
0x20: {  	[tilespmem:s15+$0x2810] =	vst v5  }
.Ltmp0:
0x21: {  	[tilespmem:s15+$0x2820] =	vst v5;
	(pc) =	sbr.rel @p1 .LBB2_2-.Ltmp0, $4  }
0x22: {  	[tilespmem:s15+$0x2830] =	vst v5  }
0x23: {  	[tilespmem:s15+$0x2840] =	vst v5  }
0x24: {  	[tilespmem:s15+$0x2850] =	vst v5  }
0x25: {  	[tilespmem:s15+$0x2860] =	vst v5;
	s15 =	sshra.s32 s16, $0x2;
	s16 =	sadd.s32 $0x200, s16  }
0x26: {  	[tilespmem:s15+$0x2870] =	vst v5  }
0x27: {  	[tilespmem:s15+$0x2800] =	vst v5  }
0x28: {  	[tilespmem:s15+$0x2810] =	vst v5  }
0x29: {  	[tilespmem:s15+$0x2820] =	vst v5  }
0x2a: {  	[tilespmem:s15+$0x2830] =	vst v5  }
0x2b: {  	[tilespmem:s15+$0x2840] =	vst v5  }
0x2c: {  	[tilespmem:s15+$0x2850] =	vst v5  }
0x2d: {  	[tilespmem:s15+$0x2860] =	vst v5;
	s15 =	simm.s32 $0x0  }
.LBB2_4:
0x2e: {  	s16 =	sshra.s32 s15, $0x2  }
0x2f: {  	v6 =	vld [tilespmem:s16+$0x0];
	_ =	sdelay $0x4  }
0x30: {  	(xrf1) =	vunique.msk.u32 $0xffff, v6;
	_ =	sdelay $0xd  }
0x31: {  	_, v7, vm0 =	vpop (xrf1);
	_ =	sdelay $0x3  }
0x32: {  	v7 =	vcvt.s32.f32 v7;
	_ =	sdelay $0x1  }
0x33: {  	[tilespmem:v6+s11+$0x0] =	vst.idx.add.f32.msk vm0, v7  }
0x34: {  	v6 =	vld [tilespmem:s16+$0x10];
	_ =	sdelay $0x4  }
0x35: {  	(xrf1) =	vunique.msk.u32 $0xffff, v6;
	_ =	sdelay $0xd  }
0x36: {  	_, v7, vm0 =	vpop (xrf1);
	_ =	sdelay $0x3  }
0x37: {  	v7 =	vcvt.s32.f32 v7;
	_ =	sdelay $0x1  }
0x38: {  	[tilespmem:v6+s11+$0x0] =	vst.idx.add.f32.msk vm0, v7  }
0x39: {  	v6 =	vld [tilespmem:s16+$0x20];
	_ =	sdelay $0x4  }
0x3a: {  	(xrf1) =	vunique.msk.u32 $0xffff, v6;
	_ =	sdelay $0xd  }
0x3b: {  	_, v7, vm0 =	vpop (xrf1);
	_ =	sdelay $0x3  }
0x3c: {  	v7 =	vcvt.s32.f32 v7;
	_ =	sdelay $0x1  }
0x3d: {  	[tilespmem:v6+s11+$0x0] =	vst.idx.add.f32.msk vm0, v7  }
0x3e: {  	v6 =	vld [tilespmem:s16+$0x30];
	_ =	sdelay $0x4  }
0x3f: {  	(xrf1) =	vunique.msk.u32 $0xffff, v6;
	_ =	sdelay $0xd  }
0x40: {  	_, v7, vm0 =	vpop (xrf1);
	_ =	sdelay $0x3  }
0x41: {  	v7 =	vcvt.s32.f32 v7;
	_ =	sdelay $0x1  }
0x42: {  	[tilespmem:v6+s11+$0x0] =	vst.idx.add.f32.msk vm0, v7  }
0x43: {  	v6 =	vld [tilespmem:s16+$0x40];
	_ =	sdelay $0x4  }
0x44: {  	(xrf1) =	vunique.msk.u32 $0xffff, v6;
	_ =	sdelay $0xd  }
0x45: {  	_, v7, vm0 =	vpop (xrf1);
	_ =	sdelay $0x3  }
0x46: {  	v7 =	vcvt.s32.f32 v7;
	_ =	sdelay $0x1  }
0x47: {  	[tilespmem:v6+s11+$0x0] =	vst.idx.add.f32.msk vm0, v7  }
0x48: {  	v6 =	vld [tilespmem:s16+$0x50];
	_ =	sdelay $0x4  }
0x49: {  	(xrf1) =	vunique.msk.u32 $0xffff, v6;
	_ =	sdelay $0xd  }
0x4a: {  	_, v7, vm0 =	vpop (xrf1);
	_ =	sdelay $0x3  }
0x4b: {  	v7 =	vcvt.s32.f32 v7;
	_ =	sdelay $0x1  }
0x4c: {  	[tilespmem:v6+s11+$0x0] =	vst.idx.add.f32.msk vm0, v7  }
0x4d: {  	v6 =	vld [tilespmem:s16+$0x60];
	_ =	sdelay $0x4  }
0x4e: {  	(xrf1) =	vunique.msk.u32 $0xffff, v6;
	_ =	sdelay $0xd  }
0x4f: {  	_, v7, vm0 =	vpop (xrf1);
	_ =	sdelay $0x3  }
0x50: {  	v7 =	vcvt.s32.f32 v7;
	_ =	sdelay $0x1  }
0x51: {  	[tilespmem:v6+s11+$0x0] =	vst.idx.add.f32.msk vm0, v7  }
0x52: {  	v6 =	vld [tilespmem:s16+$0x70];
	_ =	sdelay $0x4  }
0x53: {  	(xrf1) =	vunique.msk.u32 $0xffff, v6;
	_ =	sdelay $0xd  }
0x54: {  	_, v7, vm0 =	vpop (xrf1)  }
0x55: {  	p1 =	sne.s32 s15, $0x9E00  }
.Ltmp1:
0x56: {  	_ = 	snop;
	(pc) =	sbr.rel @p1 .LBB2_4-.Ltmp1, $3  }
0x57: {  	_ = 	snop  }
0x58: {  	v7 =	vcvt.s32.f32 v7;
	_ =	sdelay $0x1  }
0x59: {  	s15 =	sadd.s32 $0x200, s15;
	[tilespmem:v6+s11+$0x0] =	vst.idx.add.f32.msk vm0, v7  }
0x5a: {  	[bflag:$0x0] =	sbarrier.arrive $0xFFFF  }
0x5b: {  	[spmem:s1] =	stream.indirect.scatter.add.f32 [tilespmem:s11], [sflag:$0x1], $0x80, s13, s12, $0xb8;
	[tilespmem:$0x5300] =	vst v63  }
0x5c: {  	_ =	swait.ge [sflag:s10], $0x2800  }
0x5d: {  	s14 =	sadd.s32 $0x1, s14;
	[sflag:s10] =	ssyncset.done $0x0  }
0x5e: {  	p1 =	sne.s32 s14, s7;
	[sflag:s10] =	ssyncadd.s32 $0xFFFFD800  }
.Ltmp2:
0x5f: {  	s15 =	simm.s32 @!p0 $0x1;
	[bflag:$0x0] =	sbarrier.arrive $0xFFFF;
	(pc) =	sbr.rel @p1 .LBB2_1-.Ltmp2, $4  }
0x60: {  	[hbm:s6], [sflag:s8] =	dma.local @!p0 [spmem:s9], $0x80  }
0x61: {  	_ =	swait.ge @!p0 [sflag:s15], $0x80  }
0x62: {  	[sflag:s15] =	ssyncset.done @!p0 $0x0  }
0x63: {  	[sflag:s15] =	ssyncadd.s32 @!p0 $0xFFFFFF80  }
0x64: {  	_ =	sfence.sel $0x180000  }
0x65: {  	[bflag:$0x0] =	sbarrier.arrive $0xFFFF  }
0x66: {  	p0 =	sne.s32 s2, $0x0;
	_ =	strace $0x90000047  }
0x67: {  	s0 =	sadd.s32 @!p0 $0x100000, s0;
	[bflag:$0x2] =	sbarrier.arrive $0xFFFF  }
0x68: {  	[sflag:s0] =	ssyncadd.tile.s32 @!p0 $0x1;
	_ =	shalt  }
.Lfunc_end2:
_tile_overlayer_lowered:
.L_overlay_start_2:
0x69: {  	(tag) =	ssettag $0x2  }
0x6a: {  	s0 =	rddreg [dreg:$0x0];
	s2 =	stileid.u32  }
0x6b: {  	s1 =	rddreg [dreg:$0x1];
	p0 =	sne.s32 s2, $0x0  }
0x6c: {  	s3 =	rddreg [dreg:$0x2];
	[bflag:$0x3] =	sbarrier.arrive $0xFFFF;
	s2 =	simm.s32 @!p0 $0x1C01  }
0x6d: {  	[timem:s3], [sflag:s2] =	dma.local @!p0 [hbm:s0], s1  }
0x6e: {  	s0 =	simm.s32 @!p0 $0x1  }
0x6f: {  	_ =	swait.ge @!p0 [sflag:s0], s1  }
0x70: {  	s1 =	ssub.s32 @!p0 $0x0, s1;
	[sflag:s0] =	ssyncset.done @!p0 $0x0  }
0x71: {  	[sflag:s0] =	ssyncadd.s32 @!p0 s1  }
0x72: {  	[bflag:$0x3] =	sbarrier.arrive $0xFFFF  }
0x73: {  	_ =	shalt  }

</sc_bundles>
